<compile_context>
chip_gen: v7x
topology: tpu7x:2x2x1
jax: 0.10.2.dev20260603
libtpu: 0.0.44.dev20260713+nightly
codegen_flags: <defaults>
</compile_context>

<pallas_src>
import functools

import jax
import jax.numpy as jnp
from jax import lax
from jax.experimental import pallas as pl
from jax.experimental.pallas import tpu as pltpu
from jax.experimental.pallas import tpu_sc as plsc

_N_TARGET = 100000
_N_SOURCE = 10000
_N_SYN = 6400000

_NC = 2
_NS = 16
_NW = _NC * _NS
_PAD = 102400
_SYN_PER_TILE = _N_SYN // _NW
_CHUNK = 2000
_NCHUNKS = _SYN_PER_TILE // _CHUNK
_P2_COLS = _PAD // _NW

_mesh = plsc.VectorSubcoreMesh(core_axis_name="c", subcore_axis_name="s")
_params = pltpu.CompilerParams(needs_layout_passes=False)


@functools.partial(
    pl.kernel,
    out_type=jax.ShapeDtypeStruct((_NW, _PAD), jnp.float32),
    mesh=_mesh,
    compiler_params=_params,
    scratch_types=[
        pltpu.VMEM((_PAD,), jnp.float32),
        pltpu.VMEM((_N_SOURCE,), jnp.float32),
        pltpu.VMEM((_CHUNK,), jnp.int32),
        pltpu.VMEM((_CHUNK,), jnp.int32),
        pltpu.VMEM((_CHUNK,), jnp.float32),
        pltpu.VMEM((_CHUNK,), jnp.float32),
        pltpu.VMEM((_CHUNK,), jnp.float32),
        pltpu.VMEM((_CHUNK,), jnp.float32),
        pltpu.SemaphoreType.DMA,
        pltpu.SemaphoreType.DMA,
    ],
)
def _phase1(pk_hbm, w_hbm, wf_hbm, inp_hbm, part_hbm,
            acc, inp_v, pk_a, pk_b, w_a, w_b, wf_a, wf_b,
            sem_a, sem_b):
    cid = lax.axis_index("c")
    sid = lax.axis_index("s")
    wid = sid * _NC + cid
    tile_base = wid * _SYN_PER_TILE

    pk_bufs = (pk_a, pk_b)
    w_bufs = (w_a, w_b)
    wf_bufs = (wf_a, wf_b)
    sems = (sem_a, sem_b)

    zeros16 = jnp.zeros((16,), jnp.float32)

    def zbody(i, _):
        for u in range(8):
            acc[pl.ds(i * 128 + u * 16, 16)] = zeros16
        return 0

    lax.fori_loop(0, _PAD // 128, zbody, 0)

    pltpu.sync_copy(inp_hbm, inp_v)

    def issue_loads(b, chunk):
        syn0 = tile_base + chunk * _CHUNK
        sl = pl.ds(syn0, _CHUNK)
        pltpu.async_copy(pk_hbm.at[sl], pk_bufs[b], sems[b])
        pltpu.async_copy(w_hbm.at[sl], w_bufs[b], sems[b])
        pltpu.async_copy(wf_hbm.at[sl], wf_bufs[b], sems[b])

    def wait_loads(b):
        sl = pl.ds(0, _CHUNK)
        pltpu.make_async_copy(pk_hbm.at[sl], pk_bufs[b], sems[b]).wait()
        pltpu.make_async_copy(w_hbm.at[sl], w_bufs[b], sems[b]).wait()
        pltpu.make_async_copy(wf_hbm.at[sl], wf_bufs[b], sems[b]).wait()

    issue_loads(0, 0)
    issue_loads(1, 1)

    def compute_chunk(b):
        pk_s, w_s, wf_s = pk_bufs[b], w_bufs[b], wf_bufs[b]

        def cbody(i, _):
            posts, vals = [], []
            for u in range(5):
                sl = pl.ds(i * 80 + u * 16, 16)
                pk_v = pk_s[sl]
                pre_v = jnp.bitwise_and(pk_v, 16383)
                posts.append(lax.shift_right_logical(pk_v, 14))
                act = plsc.load_gather(inp_v, [pre_v])
                vals.append(jnp.where(act > 0.0, w_s[sl] * wf_s[sl], 0.0))
            for u in range(5):
                plsc.addupdate_scatter(acc, [posts[u]], vals[u])
            return 0

        lax.fori_loop(0, _CHUNK // 80, cbody, 0)

    def tbody(t, _):
        for b in range(2):
            j = t * 2 + b
            wait_loads(b)
            compute_chunk(b)

            @pl.when(j + 2 < _NCHUNKS)
            def _():
                issue_loads(b, j + 2)
        return 0

    lax.fori_loop(0, _NCHUNKS // 2, tbody, 0)

    pltpu.sync_copy(acc, part_hbm.at[wid])


@functools.partial(
    pl.kernel,
    out_type=jax.ShapeDtypeStruct((_PAD,), jnp.float32),
    mesh=_mesh,
    compiler_params=_params,
    scratch_types=[
        pltpu.VMEM((_NW, _P2_COLS), jnp.float32),
        pltpu.VMEM((_P2_COLS,), jnp.float32),
    ],
)
def _phase2(part_hbm, out_hbm, buf, outv):
    cid = lax.axis_index("c")
    sid = lax.axis_index("s")
    wid = sid * _NC + cid
    off = wid * _P2_COLS

    pltpu.sync_copy(part_hbm.at[:, pl.ds(off, _P2_COLS)], buf)

    def rbody(i, _):
        s = pl.ds(i * 16, 16)
        v = buf[0, s]
        for k in range(1, _NW):
            v = v + buf[k, s]
        outv[s] = v
        return 0

    lax.fori_loop(0, _P2_COLS // 16, rbody, 0)

    pltpu.sync_copy(outv, out_hbm.at[pl.ds(off, _P2_COLS)])


def kernel(inputs_t, indices, weights, weights_factors):
    packed = jnp.bitwise_or(
        lax.shift_left(indices[:, 0], 14), indices[:, 1])
    inp_flat = jnp.reshape(inputs_t, (-1,))
    part = _phase1(packed, weights, weights_factors, inp_flat)
    out = _phase2(part)
    return out[: _N_TARGET].reshape(inputs_t.shape[0], -1)

# --- scband reference (transcript-rebuilt; emitter-appended) ---
"""Pipeline reference for scband-lgninput-layer-cell-34170759807367 (READ-ONLY COPY).

The authoritative reference and input builder live on the scoring server;
editing this copy changes nothing except your own understanding.
"""

import jax, jax.numpy as jnp
import numpy as np

N_TARGET = 100000
N_SOURCE = 10000
N_SYN = 6400000


def setup_inputs(seed: int = 0) -> dict:
    key = jax.random.key(seed)
    k1, k2, k3, k4, k5 = jax.random.split(key, 5)
    inputs_t = jax.random.normal(k1, (1, N_SOURCE), dtype=jnp.float32)
    post = jax.random.randint(k2, (N_SYN,), 0, N_TARGET, dtype=jnp.int32)
    pre = jax.random.randint(k3, (N_SYN,), 0, N_SOURCE, dtype=jnp.int32)
    indices = jnp.stack([post, pre], axis=1)
    weights = jax.random.normal(k4, (N_SYN,), dtype=jnp.float32)
    weights_factors = jax.random.normal(k5, (N_SYN,), dtype=jnp.float32)
    return {"inputs_t": inputs_t, "indices": indices, "weights": weights, "weights_factors": weights_factors}


def reference(inputs_t, indices, weights, weights_factors):
    # --- make_pre_ind_table: sort synapses by presynaptic index (tf.top_k on -pre
    #     == stable ascending sort); ragged layout realized as a full fixed-shape
    #     ordering over all synapses ---
    pre = indices[:, 1]
    order = jnp.argsort(pre, stable=True)  # sorted_synapse_indices
    # --- call: active presynaptic neurons (tf.where(inputs_t > 0)[:, 1]) as a
    #     fixed-shape activity mask over all source neurons ---
    active = inputs_t[0] > 0
    # --- get_new_inds_table: all synapses in ragged (pre-ascending, stable) order;
    #     inactive presynaptic entries are masked out of the sum below ---
    all_inds = order
    new_indices = indices[all_inds]
    # --- sort by postsynaptic (segment) id ---
    sort_idx = jnp.argsort(new_indices[:, 0], stable=True)
    seg_ids = new_indices[:, 0][sort_idx]
    pre_sorted = new_indices[:, 1][sort_idx]
    sinds = all_inds[sort_idx]
    gathered_weights = weights[sinds]
    gathered_factors = weights_factors[sinds]
    sorted_data = jnp.where(active[pre_sorted], gathered_weights * gathered_factors, 0.0)
    i_in = jax.ops.segment_sum(sorted_data, seg_ids, num_segments=N_TARGET)
    i_in = i_in.astype(jnp.float32)
    batch_size = inputs_t.shape[0]
    i_in = i_in[None, :]
    return i_in.reshape(batch_size, -1)

if __name__ == "__main__":
    import jax
    _d = setup_inputs()
    print(jax.jit(kernel)(*tuple(_d.values())))

</pallas_src>

<mosaic_0001>
#map = affine_map<(d0, d1) -> (0)>
#map1 = affine_map<(d0, d1) -> (0, 0)>
module attributes {stable_mosaic.version = 14 : i64} {
  func.func @_phase1(%arg0: i32, %arg1: i32, %arg2: memref<6400000xi32, #tpu.memory_space<hbm>>, %arg3: memref<6400000xf32, #tpu.memory_space<hbm>>, %arg4: memref<6400000xf32, #tpu.memory_space<hbm>>, %arg5: memref<10000xf32, #tpu.memory_space<hbm>>, %arg6: memref<32x102400xf32, #tpu.memory_space<hbm>>, %arg7: memref<102400xf32, #tpu.memory_space<vmem>>, %arg8: memref<10000xf32, #tpu.memory_space<vmem>>, %arg9: memref<2000xi32, #tpu.memory_space<vmem>>, %arg10: memref<2000xi32, #tpu.memory_space<vmem>>, %arg11: memref<2000xf32, #tpu.memory_space<vmem>>, %arg12: memref<2000xf32, #tpu.memory_space<vmem>>, %arg13: memref<2000xf32, #tpu.memory_space<vmem>>, %arg14: memref<2000xf32, #tpu.memory_space<vmem>>, %arg15: memref<!tpu.dma_semaphore, #tpu.memory_space<semaphore_mem>>, %arg16: memref<!tpu.dma_semaphore, #tpu.memory_space<semaphore_mem>>) attributes {dimension_semantics = [#tpu.dimension_semantics<core_parallel>, #tpu.dimension_semantics<subcore_parallel>], iteration_bounds = array<i64: 2, 16>, scalar_prefetch = 0 : i64, scratch_operands = 10 : i64, tpu.core_type = #tpu.core_type<sc_vector_subcore>, window_params = [{transform_indices = #map}, {transform_indices = #map}, {transform_indices = #map}, {transform_indices = #map}, {transform_indices = #map1}]} {
    %mul3A = arith.constant 2 : i32
    %mul3A_0 = arith.muli %arg1, %mul3A : i32
    %add3A = arith.addi %mul3A_0, %arg0 : i32
    %mul3A_1 = arith.constant 200000 : i32
    %mul3A_2 = arith.muli %add3A, %mul3A_1 : i32
    %broadcast_in_dim3A = arith.constant 0.000000e+00 : f32
    %broadcast_in_dim3A_3 = vector.broadcast %broadcast_in_dim3A : f32 to vector<16xf32>
    %scan3A = arith.constant 0 : i32
    %scan3A_4 = arith.constant 0 : i32
    %scan3A_5 = arith.constant 800 : i32
    %scan3A_6 = arith.addi %scan3A_4, %scan3A_5 : i32
    %scan3A_7 = arith.constant 1 : i32
    %scan3A_8 = scf.for %scan3A_32 = %scan3A_4 to %scan3A_6 step %scan3A_7 iter_args(%scan3A_33 = %scan3A) -> (i32)  : i32 {
      %mul3A_34 = arith.constant 128 : i32
      %mul3A_35 = arith.muli %scan3A_32, %mul3A_34 : i32
      %add3A_36 = arith.constant 0 : i32
      %add3A_37 = arith.addi %mul3A_35, %add3A_36 : i32
      %swap3A = arith.index_cast %add3A_37 : i32 to index
      %swap3A_38 = tpu.vector_load %arg7[%swap3A] {strides = array<i32>} : memref<102400xf32, #tpu.memory_space<vmem>>, vector<16xf32>,
      tpu.vector_store %arg7[%swap3A], %broadcast_in_dim3A_3 {strides = array<i32>} : memref<102400xf32, #tpu.memory_space<vmem>>, vector<16xf32>,
      %mul3A_39 = arith.constant 128 : i32
      %mul3A_40 = arith.muli %scan3A_32, %mul3A_39 : i32
      %add3A_41 = arith.constant 16 : i32
      %add3A_42 = arith.addi %mul3A_40, %add3A_41 : i32
      %swap3A_43 = arith.index_cast %add3A_42 : i32 to index
      %swap3A_44 = tpu.vector_load %arg7[%swap3A_43] {strides = array<i32>} : memref<102400xf32, #tpu.memory_space<vmem>>, vector<16xf32>,
      tpu.vector_store %arg7[%swap3A_43], %broadcast_in_dim3A_3 {strides = array<i32>} : memref<102400xf32, #tpu.memory_space<vmem>>, vector<16xf32>,
      %mul3A_45 = arith.constant 128 : i32
      %mul3A_46 = arith.muli %scan3A_32, %mul3A_45 : i32
      %add3A_47 = arith.constant 32 : i32
      %add3A_48 = arith.addi %mul3A_46, %add3A_47 : i32
      %swap3A_49 = arith.index_cast %add3A_48 : i32 to index
      %swap3A_50 = tpu.vector_load %arg7[%swap3A_49] {strides = array<i32>} : memref<102400xf32, #tpu.memory_space<vmem>>, vector<16xf32>,
      tpu.vector_store %arg7[%swap3A_49], %broadcast_in_dim3A_3 {strides = array<i32>} : memref<102400xf32, #tpu.memory_space<vmem>>, vector<16xf32>,
      %mul3A_51 = arith.constant 128 : i32
      %mul3A_52 = arith.muli %scan3A_32, %mul3A_51 : i32
      %add3A_53 = arith.constant 48 : i32
      %add3A_54 = arith.addi %mul3A_52, %add3A_53 : i32
      %swap3A_55 = arith.index_cast %add3A_54 : i32 to index
      %swap3A_56 = tpu.vector_load %arg7[%swap3A_55] {strides = array<i32>} : memref<102400xf32, #tpu.memory_space<vmem>>, vector<16xf32>,
      tpu.vector_store %arg7[%swap3A_55], %broadcast_in_dim3A_3 {strides = array<i32>} : memref<102400xf32, #tpu.memory_space<vmem>>, vector<16xf32>,
      %mul3A_57 = arith.constant 128 : i32
      %mul3A_58 = arith.muli %scan3A_32, %mul3A_57 : i32
      %add3A_59 = arith.constant 64 : i32
      %add3A_60 = arith.addi %mul3A_58, %add3A_59 : i32
      %swap3A_61 = arith.index_cast %add3A_60 : i32 to index
      %swap3A_62 = tpu.vector_load %arg7[%swap3A_61] {strides = array<i32>} : memref<102400xf32, #tpu.memory_space<vmem>>, vector<16xf32>,
      tpu.vector_store %arg7[%swap3A_61], %broadcast_in_dim3A_3 {strides = array<i32>} : memref<102400xf32, #tpu.memory_space<vmem>>, vector<16xf32>,
      %mul3A_63 = arith.constant 128 : i32
      %mul3A_64 = arith.muli %scan3A_32, %mul3A_63 : i32
      %add3A_65 = arith.constant 80 : i32
      %add3A_66 = arith.addi %mul3A_64, %add3A_65 : i32
      %swap3A_67 = arith.index_cast %add3A_66 : i32 to index
      %swap3A_68 = tpu.vector_load %arg7[%swap3A_67] {strides = array<i32>} : memref<102400xf32, #tpu.memory_space<vmem>>, vector<16xf32>,
      tpu.vector_store %arg7[%swap3A_67], %broadcast_in_dim3A_3 {strides = array<i32>} : memref<102400xf32, #tpu.memory_space<vmem>>, vector<16xf32>,
      %mul3A_69 = arith.constant 128 : i32
      %mul3A_70 = arith.muli %scan3A_32, %mul3A_69 : i32
      %add3A_71 = arith.constant 96 : i32
      %add3A_72 = arith.addi %mul3A_70, %add3A_71 : i32
      %swap3A_73 = arith.index_cast %add3A_72 : i32 to index
      %swap3A_74 = tpu.vector_load %arg7[%swap3A_73] {strides = array<i32>} : memref<102400xf32, #tpu.memory_space<vmem>>, vector<16xf32>,
      tpu.vector_store %arg7[%swap3A_73], %broadcast_in_dim3A_3 {strides = array<i32>} : memref<102400xf32, #tpu.memory_space<vmem>>, vector<16xf32>,
      %mul3A_75 = arith.constant 128 : i32
      %mul3A_76 = arith.muli %scan3A_32, %mul3A_75 : i32
      %add3A_77 = arith.constant 112 : i32
      %add3A_78 = arith.addi %mul3A_76, %add3A_77 : i32
      %swap3A_79 = arith.index_cast %add3A_78 : i32 to index
      %swap3A_80 = tpu.vector_load %arg7[%swap3A_79] {strides = array<i32>} : memref<102400xf32, #tpu.memory_space<vmem>>, vector<16xf32>,
      tpu.vector_store %arg7[%swap3A_79], %broadcast_in_dim3A_3 {strides = array<i32>} : memref<102400xf32, #tpu.memory_space<vmem>>, vector<16xf32>,
      %scan3A_81 = arith.constant 0 : i32
      scf.yield %scan3A_81 : i32
    }
    %scan3A_9 = arith.constant 800 : i32
    "tpu.region"() ({
      %run_scoped3A = tpu.sem_alloc : memref<!tpu.dma_semaphore, #tpu.memory_space<semaphore_mem>>
      tpu.enqueue_dma source(%arg5 : memref<10000xf32, #tpu.memory_space<hbm>>) target(%arg8 : memref<10000xf32, #tpu.memory_space<vmem>>) target_semaphore(%run_scoped3A : memref<!tpu.dma_semaphore, #tpu.memory_space<semaphore_mem>>)
      tpu.wait_dma2 semaphore(%run_scoped3A : memref<!tpu.dma_semaphore, #tpu.memory_space<semaphore_mem>>) src(%arg5 : memref<10000xf32, #tpu.memory_space<hbm>>) dst(%arg8 : memref<10000xf32, #tpu.memory_space<vmem>>)
      tpu.yield
    }) : () -> ()
    %add3A_10 = arith.constant 0 : i32
    %add3A_11 = arith.addi %mul3A_2, %add3A_10 : i32
    %dma_start3A = tpu.memref_slice %arg2[%add3A_11] : memref<6400000xi32, #tpu.memory_space<hbm>> -> memref<2000xi32, #tpu.memory_space<hbm>>
    %dma_start3A_12 = tpu.memref_slice %arg2[%add3A_11] : memref<6400000xi32, #tpu.memory_space<hbm>> -> memref<2000xi32, #tpu.memory_space<hbm>>
    tpu.enqueue_dma source(%dma_start3A_12 : memref<2000xi32, #tpu.memory_space<hbm>>) target(%arg9 : memref<2000xi32, #tpu.memory_space<vmem>>) target_semaphore(%arg15 : memref<!tpu.dma_semaphore, #tpu.memory_space<semaphore_mem>>)
    %dma_start3A_13 = tpu.memref_slice %arg3[%add3A_11] : memref<6400000xf32, #tpu.memory_space<hbm>> -> memref<2000xf32, #tpu.memory_space<hbm>>
    %dma_start3A_14 = tpu.memref_slice %arg3[%add3A_11] : memref<6400000xf32, #tpu.memory_space<hbm>> -> memref<2000xf32, #tpu.memory_space<hbm>>
    tpu.enqueue_dma source(%dma_start3A_14 : memref<2000xf32, #tpu.memory_space<hbm>>) target(%arg11 : memref<2000xf32, #tpu.memory_space<vmem>>) target_semaphore(%arg15 : memref<!tpu.dma_semaphore, #tpu.memory_space<semaphore_mem>>)
    %dma_start3A_15 = tpu.memref_slice %arg4[%add3A_11] : memref<6400000xf32, #tpu.memory_space<hbm>> -> memref<2000xf32, #tpu.memory_space<hbm>>
    %dma_start3A_16 = tpu.memref_slice %arg4[%add3A_11] : memref<6400000xf32, #tpu.memory_space<hbm>> -> memref<2000xf32, #tpu.memory_space<hbm>>
    tpu.enqueue_dma source(%dma_start3A_16 : memref<2000xf32, #tpu.memory_space<hbm>>) target(%arg13 : memref<2000xf32, #tpu.memory_space<vmem>>) target_semaphore(%arg15 : memref<!tpu.dma_semaphore, #tpu.memory_space<semaphore_mem>>)
    %add3A_17 = arith.constant 2000 : i32
    %add3A_18 = arith.addi %mul3A_2, %add3A_17 : i32
    %dma_start3A_19 = tpu.memref_slice %arg2[%add3A_18] : memref<6400000xi32, #tpu.memory_space<hbm>> -> memref<2000xi32, #tpu.memory_space<hbm>>
    %dma_start3A_20 = tpu.memref_slice %arg2[%add3A_18] : memref<6400000xi32, #tpu.memory_space<hbm>> -> memref<2000xi32, #tpu.memory_space<hbm>>
    tpu.enqueue_dma source(%dma_start3A_20 : memref<2000xi32, #tpu.memory_space<hbm>>) target(%arg10 : memref<2000xi32, #tpu.memory_space<vmem>>) target_semaphore(%arg16 : memref<!tpu.dma_semaphore, #tpu.memory_space<semaphore_mem>>)
    %dma_start3A_21 = tpu.memref_slice %arg3[%add3A_18] : memref<6400000xf32, #tpu.memory_space<hbm>> -> memref<2000xf32, #tpu.memory_space<hbm>>
    %dma_start3A_22 = tpu.memref_slice %arg3[%add3A_18] : memref<6400000xf32, #tpu.memory_space<hbm>> -> memref<2000xf32, #tpu.memory_space<hbm>>
    tpu.enqueue_dma source(%dma_start3A_22 : memref<2000xf32, #tpu.memory_space<hbm>>) target(%arg12 : memref<2000xf32, #tpu.memory_space<vmem>>) target_semaphore(%arg16 : memref<!tpu.dma_semaphore, #tpu.memory_space<semaphore_mem>>)
    %dma_start3A_23 = tpu.memref_slice %arg4[%add3A_18] : memref<6400000xf32, #tpu.memory_space<hbm>> -> memref<2000xf32, #tpu.memory_space<hbm>>
    %dma_start3A_24 = tpu.memref_slice %arg4[%add3A_18] : memref<6400000xf32, #tpu.memory_space<hbm>> -> memref<2000xf32, #tpu.memory_space<hbm>>
    tpu.enqueue_dma source(%dma_start3A_24 : memref<2000xf32, #tpu.memory_space<hbm>>) target(%arg14 : memref<2000xf32, #tpu.memory_space<vmem>>) target_semaphore(%arg16 : memref<!tpu.dma_semaphore, #tpu.memory_space<semaphore_mem>>)
    %scan3A_25 = arith.constant 0 : i32
    %scan3A_26 = arith.constant 0 : i32
    %scan3A_27 = arith.constant 50 : i32
    %scan3A_28 = arith.addi %scan3A_26, %scan3A_27 : i32
    %scan3A_29 = arith.constant 1 : i32
    %scan3A_30 = scf.for %scan3A_32 = %scan3A_26 to %scan3A_28 step %scan3A_29 iter_args(%scan3A_33 = %scan3A_25) -> (i32)  : i32 {
      %mul3A_34 = arith.constant 2 : i32
      %mul3A_35 = arith.muli %scan3A_32, %mul3A_34 : i32
      %add3A_36 = arith.constant 0 : i32
      %add3A_37 = arith.addi %mul3A_35, %add3A_36 : i32
      %dma_wait3A = arith.constant 0 : i32
      %dma_wait3A_38 = tpu.memref_slice %arg2[%dma_wait3A] : memref<6400000xi32, #tpu.memory_space<hbm>> -> memref<2000xi32, #tpu.memory_space<hbm>>
      %dma_wait3A_39 = arith.constant 0 : i32
      %dma_wait3A_40 = tpu.memref_slice %arg2[%dma_wait3A_39] : memref<6400000xi32, #tpu.memory_space<hbm>> -> memref<2000xi32, #tpu.memory_space<hbm>>
      tpu.wait_dma2 semaphore(%arg15 : memref<!tpu.dma_semaphore, #tpu.memory_space<semaphore_mem>>) src(%dma_wait3A_40 : memref<2000xi32, #tpu.memory_space<hbm>>) dst(%arg9 : memref<2000xi32, #tpu.memory_space<vmem>>)
      %dma_wait3A_41 = arith.constant 0 : i32
      %dma_wait3A_42 = tpu.memref_slice %arg3[%dma_wait3A_41] : memref<6400000xf32, #tpu.memory_space<hbm>> -> memref<2000xf32, #tpu.memory_space<hbm>>
      %dma_wait3A_43 = arith.constant 0 : i32
      %dma_wait3A_44 = tpu.memref_slice %arg3[%dma_wait3A_43] : memref<6400000xf32, #tpu.memory_space<hbm>> -> memref<2000xf32, #tpu.memory_space<hbm>>
      tpu.wait_dma2 semaphore(%arg15 : memref<!tpu.dma_semaphore, #tpu.memory_space<semaphore_mem>>) src(%dma_wait3A_44 : memref<2000xf32, #tpu.memory_space<hbm>>) dst(%arg11 : memref<2000xf32, #tpu.memory_space<vmem>>)
      %dma_wait3A_45 = arith.constant 0 : i32
      %dma_wait3A_46 = tpu.memref_slice %arg4[%dma_wait3A_45] : memref<6400000xf32, #tpu.memory_space<hbm>> -> memref<2000xf32, #tpu.memory_space<hbm>>
      %dma_wait3A_47 = arith.constant 0 : i32
      %dma_wait3A_48 = tpu.memref_slice %arg4[%dma_wait3A_47] : memref<6400000xf32, #tpu.memory_space<hbm>> -> memref<2000xf32, #tpu.memory_space<hbm>>
      tpu.wait_dma2 semaphore(%arg15 : memref<!tpu.dma_semaphore, #tpu.memory_space<semaphore_mem>>) src(%dma_wait3A_48 : memref<2000xf32, #tpu.memory_space<hbm>>) dst(%arg13 : memref<2000xf32, #tpu.memory_space<vmem>>)
      %scan3A_49 = arith.constant 0 : i32
      %scan3A_50 = arith.constant 0 : i32
      %scan3A_51 = arith.constant 25 : i32
      %scan3A_52 = arith.addi %scan3A_50, %scan3A_51 : i32
      %scan3A_53 = arith.constant 1 : i32
      %scan3A_54 = scf.for %scan3A_91 = %scan3A_50 to %scan3A_52 step %scan3A_53 iter_args(%scan3A_92 = %scan3A_49) -> (i32)  : i32 {
        %mul3A_93 = arith.constant 80 : i32
        %mul3A_94 = arith.muli %scan3A_91, %mul3A_93 : i32
        %add3A_95 = arith.constant 0 : i32
        %add3A_96 = arith.addi %mul3A_94, %add3A_95 : i32
        %get3A = arith.index_cast %add3A_96 : i32 to index
        %get3A_97 = tpu.vector_load %arg9[%get3A] {strides = array<i32>} : memref<2000xi32, #tpu.memory_space<vmem>>, vector<16xi32>,
        %and3A = arith.constant 16383 : i32
        %and3A_98 = vector.broadcast %and3A : i32 to vector<16xi32>
        %and3A_99 = arith.andi %get3A_97, %and3A_98 : vector<16xi32>
        %shift_right_logical3A = arith.constant 14 : i32
        %shift_right_logical3A_100 = vector.broadcast %shift_right_logical3A : i32 to vector<16xi32>
        %shift_right_logical3A_101 = arith.shrui %get3A_97, %shift_right_logical3A_100 : vector<16xi32>
        %gather3A = tpu.vector_load_idx %arg8[%and3A_99] : memref<10000xf32, #tpu.memory_space<vmem>>[vector<16xi32>], vector<16xf32>,
        %gt3A = arith.constant 0.000000e+00 : f32
        %gt3A_102 = vector.broadcast %gt3A : f32 to vector<16xf32>
        %gt3A_103 = arith.cmpf ogt, %gather3A, %gt3A_102 : vector<16xf32>
        %get3A_104 = arith.index_cast %add3A_96 : i32 to index
        %get3A_105 = tpu.vector_load %arg11[%get3A_104] {strides = array<i32>} : memref<2000xf32, #tpu.memory_space<vmem>>, vector<16xf32>,
        %get3A_106 = arith.index_cast %add3A_96 : i32 to index
        %get3A_107 = tpu.vector_load %arg13[%get3A_106] {strides = array<i32>} : memref<2000xf32, #tpu.memory_space<vmem>>, vector<16xf32>,
        %mul3A_108 = arith.mulf %get3A_105, %get3A_107 : vector<16xf32>
        %jit3A = arith.constant 0.000000e+00 : f32
        %broadcast_in_dim3A_109 = vector.broadcast %jit3A : f32 to vector<16xf32>
        %select_n3A = arith.select %gt3A_103, %mul3A_108, %broadcast_in_dim3A_109 : vector<16xi1>, vector<16xf32>
        %mul3A_110 = arith.constant 80 : i32
        %mul3A_111 = arith.muli %scan3A_91, %mul3A_110 : i32
        %add3A_112 = arith.constant 16 : i32
        %add3A_113 = arith.addi %mul3A_111, %add3A_112 : i32
        %get3A_114 = arith.index_cast %add3A_113 : i32 to index
        %get3A_115 = tpu.vector_load %arg9[%get3A_114] {strides = array<i32>} : memref<2000xi32, #tpu.memory_space<vmem>>, vector<16xi32>,
        %and3A_116 = arith.constant 16383 : i32
        %and3A_117 = vector.broadcast %and3A_116 : i32 to vector<16xi32>
        %and3A_118 = arith.andi %get3A_115, %and3A_117 : vector<16xi32>
        %shift_right_logical3A_119 = arith.constant 14 : i32
        %shift_right_logical3A_120 = vector.broadcast %shift_right_logical3A_119 : i32 to vector<16xi32>
        %shift_right_logical3A_121 = arith.shrui %get3A_115, %shift_right_logical3A_120 : vector<16xi32>
        %gather3A_122 = tpu.vector_load_idx %arg8[%and3A_118] : memref<10000xf32, #tpu.memory_space<vmem>>[vector<16xi32>], vector<16xf32>,
        %gt3A_123 = arith.constant 0.000000e+00 : f32
        %gt3A_124 = vector.broadcast %gt3A_123 : f32 to vector<16xf32>
        %gt3A_125 = arith.cmpf ogt, %gather3A_122, %gt3A_124 : vector<16xf32>
        %get3A_126 = arith.index_cast %add3A_113 : i32 to index
        %get3A_127 = tpu.vector_load %arg11[%get3A_126] {strides = array<i32>} : memref<2000xf32, #tpu.memory_space<vmem>>, vector<16xf32>,
        %get3A_128 = arith.index_cast %add3A_113 : i32 to index
        %get3A_129 = tpu.vector_load %arg13[%get3A_128] {strides = array<i32>} : memref<2000xf32, #tpu.memory_space<vmem>>, vector<16xf32>,
        %mul3A_130 = arith.mulf %get3A_127, %get3A_129 : vector<16xf32>
        %jit3A_131 = arith.constant 0.000000e+00 : f32
        %broadcast_in_dim3A_132 = vector.broadcast %jit3A_131 : f32 to vector<16xf32>
        %select_n3A_133 = arith.select %gt3A_125, %mul3A_130, %broadcast_in_dim3A_132 : vector<16xi1>, vector<16xf32>
        %mul3A_134 = arith.constant 80 : i32
        %mul3A_135 = arith.muli %scan3A_91, %mul3A_134 : i32
        %add3A_136 = arith.constant 32 : i32
        %add3A_137 = arith.addi %mul3A_135, %add3A_136 : i32
        %get3A_138 = arith.index_cast %add3A_137 : i32 to index
        %get3A_139 = tpu.vector_load %arg9[%get3A_138] {strides = array<i32>} : memref<2000xi32, #tpu.memory_space<vmem>>, vector<16xi32>,
        %and3A_140 = arith.constant 16383 : i32
        %and3A_141 = vector.broadcast %and3A_140 : i32 to vector<16xi32>
        %and3A_142 = arith.andi %get3A_139, %and3A_141 : vector<16xi32>
        %shift_right_logical3A_143 = arith.constant 14 : i32
        %shift_right_logical3A_144 = vector.broadcast %shift_right_logical3A_143 : i32 to vector<16xi32>
        %shift_right_logical3A_145 = arith.shrui %get3A_139, %shift_right_logical3A_144 : vector<16xi32>
        %gather3A_146 = tpu.vector_load_idx %arg8[%and3A_142] : memref<10000xf32, #tpu.memory_space<vmem>>[vector<16xi32>], vector<16xf32>,
        %gt3A_147 = arith.constant 0.000000e+00 : f32
        %gt3A_148 = vector.broadcast %gt3A_147 : f32 to vector<16xf32>
        %gt3A_149 = arith.cmpf ogt, %gather3A_146, %gt3A_148 : vector<16xf32>
        %get3A_150 = arith.index_cast %add3A_137 : i32 to index
        %get3A_151 = tpu.vector_load %arg11[%get3A_150] {strides = array<i32>} : memref<2000xf32, #tpu.memory_space<vmem>>, vector<16xf32>,
        %get3A_152 = arith.index_cast %add3A_137 : i32 to index
        %get3A_153 = tpu.vector_load %arg13[%get3A_152] {strides = array<i32>} : memref<2000xf32, #tpu.memory_space<vmem>>, vector<16xf32>,
        %mul3A_154 = arith.mulf %get3A_151, %get3A_153 : vector<16xf32>
        %jit3A_155 = arith.constant 0.000000e+00 : f32
        %broadcast_in_dim3A_156 = vector.broadcast %jit3A_155 : f32 to vector<16xf32>
        %select_n3A_157 = arith.select %gt3A_149, %mul3A_154, %broadcast_in_dim3A_156 : vector<16xi1>, vector<16xf32>
        %mul3A_158 = arith.constant 80 : i32
        %mul3A_159 = arith.muli %scan3A_91, %mul3A_158 : i32
        %add3A_160 = arith.constant 48 : i32
        %add3A_161 = arith.addi %mul3A_159, %add3A_160 : i32
        %get3A_162 = arith.index_cast %add3A_161 : i32 to index
        %get3A_163 = tpu.vector_load %arg9[%get3A_162] {strides = array<i32>} : memref<2000xi32, #tpu.memory_space<vmem>>, vector<16xi32>,
        %and3A_164 = arith.constant 16383 : i32
        %and3A_165 = vector.broadcast %and3A_164 : i32 to vector<16xi32>
        %and3A_166 = arith.andi %get3A_163, %and3A_165 : vector<16xi32>
        %shift_right_logical3A_167 = arith.constant 14 : i32
        %shift_right_logical3A_168 = vector.broadcast %shift_right_logical3A_167 : i32 to vector<16xi32>
        %shift_right_logical3A_169 = arith.shrui %get3A_163, %shift_right_logical3A_168 : vector<16xi32>
        %gather3A_170 = tpu.vector_load_idx %arg8[%and3A_166] : memref<10000xf32, #tpu.memory_space<vmem>>[vector<16xi32>], vector<16xf32>,
        %gt3A_171 = arith.constant 0.000000e+00 : f32
        %gt3A_172 = vector.broadcast %gt3A_171 : f32 to vector<16xf32>
        %gt3A_173 = arith.cmpf ogt, %gather3A_170, %gt3A_172 : vector<16xf32>
        %get3A_174 = arith.index_cast %add3A_161 : i32 to index
        %get3A_175 = tpu.vector_load %arg11[%get3A_174] {strides = array<i32>} : memref<2000xf32, #tpu.memory_space<vmem>>, vector<16xf32>,
        %get3A_176 = arith.index_cast %add3A_161 : i32 to index
        %get3A_177 = tpu.vector_load %arg13[%get3A_176] {strides = array<i32>} : memref<2000xf32, #tpu.memory_space<vmem>>, vector<16xf32>,
        %mul3A_178 = arith.mulf %get3A_175, %get3A_177 : vector<16xf32>
        %jit3A_179 = arith.constant 0.000000e+00 : f32
        %broadcast_in_dim3A_180 = vector.broadcast %jit3A_179 : f32 to vector<16xf32>
        %select_n3A_181 = arith.select %gt3A_173, %mul3A_178, %broadcast_in_dim3A_180 : vector<16xi1>, vector<16xf32>
        %mul3A_182 = arith.constant 80 : i32
        %mul3A_183 = arith.muli %scan3A_91, %mul3A_182 : i32
        %add3A_184 = arith.constant 64 : i32
        %add3A_185 = arith.addi %mul3A_183, %add3A_184 : i32
        %get3A_186 = arith.index_cast %add3A_185 : i32 to index
        %get3A_187 = tpu.vector_load %arg9[%get3A_186] {strides = array<i32>} : memref<2000xi32, #tpu.memory_space<vmem>>, vector<16xi32>,
        %and3A_188 = arith.constant 16383 : i32
        %and3A_189 = vector.broadcast %and3A_188 : i32 to vector<16xi32>
        %and3A_190 = arith.andi %get3A_187, %and3A_189 : vector<16xi32>
        %shift_right_logical3A_191 = arith.constant 14 : i32
        %shift_right_logical3A_192 = vector.broadcast %shift_right_logical3A_191 : i32 to vector<16xi32>
        %shift_right_logical3A_193 = arith.shrui %get3A_187, %shift_right_logical3A_192 : vector<16xi32>
        %gather3A_194 = tpu.vector_load_idx %arg8[%and3A_190] : memref<10000xf32, #tpu.memory_space<vmem>>[vector<16xi32>], vector<16xf32>,
        %gt3A_195 = arith.constant 0.000000e+00 : f32
        %gt3A_196 = vector.broadcast %gt3A_195 : f32 to vector<16xf32>
        %gt3A_197 = arith.cmpf ogt, %gather3A_194, %gt3A_196 : vector<16xf32>
        %get3A_198 = arith.index_cast %add3A_185 : i32 to index
        %get3A_199 = tpu.vector_load %arg11[%get3A_198] {strides = array<i32>} : memref<2000xf32, #tpu.memory_space<vmem>>, vector<16xf32>,
        %get3A_200 = arith.index_cast %add3A_185 : i32 to index
        %get3A_201 = tpu.vector_load %arg13[%get3A_200] {strides = array<i32>} : memref<2000xf32, #tpu.memory_space<vmem>>, vector<16xf32>,
        %mul3A_202 = arith.mulf %get3A_199, %get3A_201 : vector<16xf32>
        %jit3A_203 = arith.constant 0.000000e+00 : f32
        %broadcast_in_dim3A_204 = vector.broadcast %jit3A_203 : f32 to vector<16xf32>
        %select_n3A_205 = arith.select %gt3A_197, %mul3A_202, %broadcast_in_dim3A_204 : vector<16xi1>, vector<16xf32>
        tpu.vector_store_idx %arg7[%shift_right_logical3A_101], %select_n3A {add = true} : memref<102400xf32, #tpu.memory_space<vmem>>[vector<16xi32>], vector<16xf32>,
        tpu.vector_store_idx %arg7[%shift_right_logical3A_121], %select_n3A_133 {add = true} : memref<102400xf32, #tpu.memory_space<vmem>>[vector<16xi32>], vector<16xf32>,
        tpu.vector_store_idx %arg7[%shift_right_logical3A_145], %select_n3A_157 {add = true} : memref<102400xf32, #tpu.memory_space<vmem>>[vector<16xi32>], vector<16xf32>,
        tpu.vector_store_idx %arg7[%shift_right_logical3A_169], %select_n3A_181 {add = true} : memref<102400xf32, #tpu.memory_space<vmem>>[vector<16xi32>], vector<16xf32>,
        tpu.vector_store_idx %arg7[%shift_right_logical3A_193], %select_n3A_205 {add = true} : memref<102400xf32, #tpu.memory_space<vmem>>[vector<16xi32>], vector<16xf32>,
        %scan3A_206 = arith.constant 0 : i32
        scf.yield %scan3A_206 : i32
      }
      %scan3A_55 = arith.constant 25 : i32
      %add3A_56 = arith.constant 2 : i32
      %add3A_57 = arith.addi %add3A_37, %add3A_56 : i32
      %lt3A = arith.constant 100 : i32
      %lt3A_58 = arith.cmpi slt, %add3A_57, %lt3A : i32
      %convert_element_type3A = arith.extui %lt3A_58 : i1 to i32
      %cond3A = arith.constant 0 : i32
      %cond3A_59 = arith.cmpi ne, %convert_element_type3A, %cond3A : i32
      scf.if %cond3A_59 {
        %add3A_91 = arith.constant 2 : i32
        %add3A_92 = arith.addi %add3A_37, %add3A_91 : i32
        %mul3A_93 = arith.constant 2000 : i32
        %mul3A_94 = arith.muli %add3A_92, %mul3A_93 : i32
        %add3A_95 = arith.addi %mul3A_2, %mul3A_94 : i32
        %dma_start3A_96 = tpu.memref_slice %arg2[%add3A_95] : memref<6400000xi32, #tpu.memory_space<hbm>> -> memref<2000xi32, #tpu.memory_space<hbm>>
        %dma_start3A_97 = tpu.memref_slice %arg2[%add3A_95] : memref<6400000xi32, #tpu.memory_space<hbm>> -> memref<2000xi32, #tpu.memory_space<hbm>>
        tpu.enqueue_dma source(%dma_start3A_97 : memref<2000xi32, #tpu.memory_space<hbm>>) target(%arg9 : memref<2000xi32, #tpu.memory_space<vmem>>) target_semaphore(%arg15 : memref<!tpu.dma_semaphore, #tpu.memory_space<semaphore_mem>>)
        %dma_start3A_98 = tpu.memref_slice %arg3[%add3A_95] : memref<6400000xf32, #tpu.memory_space<hbm>> -> memref<2000xf32, #tpu.memory_space<hbm>>
        %dma_start3A_99 = tpu.memref_slice %arg3[%add3A_95] : memref<6400000xf32, #tpu.memory_space<hbm>> -> memref<2000xf32, #tpu.memory_space<hbm>>
        tpu.enqueue_dma source(%dma_start3A_99 : memref<2000xf32, #tpu.memory_space<hbm>>) target(%arg11 : memref<2000xf32, #tpu.memory_space<vmem>>) target_semaphore(%arg15 : memref<!tpu.dma_semaphore, #tpu.memory_space<semaphore_mem>>)
        %dma_start3A_100 = tpu.memref_slice %arg4[%add3A_95] : memref<6400000xf32, #tpu.memory_space<hbm>> -> memref<2000xf32, #tpu.memory_space<hbm>>
        %dma_start3A_101 = tpu.memref_slice %arg4[%add3A_95] : memref<6400000xf32, #tpu.memory_space<hbm>> -> memref<2000xf32, #tpu.memory_space<hbm>>
        tpu.enqueue_dma source(%dma_start3A_101 : memref<2000xf32, #tpu.memory_space<hbm>>) target(%arg13 : memref<2000xf32, #tpu.memory_space<vmem>>) target_semaphore(%arg15 : memref<!tpu.dma_semaphore, #tpu.memory_space<semaphore_mem>>)
      } else {
      }
      %mul3A_60 = arith.constant 2 : i32
      %mul3A_61 = arith.muli %scan3A_32, %mul3A_60 : i32
      %add3A_62 = arith.constant 1 : i32
      %add3A_63 = arith.addi %mul3A_61, %add3A_62 : i32
      %dma_wait3A_64 = arith.constant 0 : i32
      %dma_wait3A_65 = tpu.memref_slice %arg2[%dma_wait3A_64] : memref<6400000xi32, #tpu.memory_space<hbm>> -> memref<2000xi32, #tpu.memory_space<hbm>>
      %dma_wait3A_66 = arith.constant 0 : i32
      %dma_wait3A_67 = tpu.memref_slice %arg2[%dma_wait3A_66] : memref<6400000xi32, #tpu.memory_space<hbm>> -> memref<2000xi32, #tpu.memory_space<hbm>>
      tpu.wait_dma2 semaphore(%arg16 : memref<!tpu.dma_semaphore, #tpu.memory_space<semaphore_mem>>) src(%dma_wait3A_67 : memref<2000xi32, #tpu.memory_space<hbm>>) dst(%arg10 : memref<2000xi32, #tpu.memory_space<vmem>>)
      %dma_wait3A_68 = arith.constant 0 : i32
      %dma_wait3A_69 = tpu.memref_slice %arg3[%dma_wait3A_68] : memref<6400000xf32, #tpu.memory_space<hbm>> -> memref<2000xf32, #tpu.memory_space<hbm>>
      %dma_wait3A_70 = arith.constant 0 : i32
      %dma_wait3A_71 = tpu.memref_slice %arg3[%dma_wait3A_70] : memref<6400000xf32, #tpu.memory_space<hbm>> -> memref<2000xf32, #tpu.memory_space<hbm>>
      tpu.wait_dma2 semaphore(%arg16 : memref<!tpu.dma_semaphore, #tpu.memory_space<semaphore_mem>>) src(%dma_wait3A_71 : memref<2000xf32, #tpu.memory_space<hbm>>) dst(%arg12 : memref<2000xf32, #tpu.memory_space<vmem>>)
      %dma_wait3A_72 = arith.constant 0 : i32
      %dma_wait3A_73 = tpu.memref_slice %arg4[%dma_wait3A_72] : memref<6400000xf32, #tpu.memory_space<hbm>> -> memref<2000xf32, #tpu.memory_space<hbm>>
      %dma_wait3A_74 = arith.constant 0 : i32
      %dma_wait3A_75 = tpu.memref_slice %arg4[%dma_wait3A_74] : memref<6400000xf32, #tpu.memory_space<hbm>> -> memref<2000xf32, #tpu.memory_space<hbm>>
      tpu.wait_dma2 semaphore(%arg16 : memref<!tpu.dma_semaphore, #tpu.memory_space<semaphore_mem>>) src(%dma_wait3A_75 : memref<2000xf32, #tpu.memory_space<hbm>>) dst(%arg14 : memref<2000xf32, #tpu.memory_space<vmem>>)
      %scan3A_76 = arith.constant 0 : i32
      %scan3A_77 = arith.constant 0 : i32
      %scan3A_78 = arith.constant 25 : i32
      %scan3A_79 = arith.addi %scan3A_77, %scan3A_78 : i32
      %scan3A_80 = arith.constant 1 : i32
      %scan3A_81 = scf.for %scan3A_91 = %scan3A_77 to %scan3A_79 step %scan3A_80 iter_args(%scan3A_92 = %scan3A_76) -> (i32)  : i32 {
        %mul3A_93 = arith.constant 80 : i32
        %mul3A_94 = arith.muli %scan3A_91, %mul3A_93 : i32
        %add3A_95 = arith.constant 0 : i32
        %add3A_96 = arith.addi %mul3A_94, %add3A_95 : i32
        %get3A = arith.index_cast %add3A_96 : i32 to index
        %get3A_97 = tpu.vector_load %arg10[%get3A] {strides = array<i32>} : memref<2000xi32, #tpu.memory_space<vmem>>, vector<16xi32>,
        %and3A = arith.constant 16383 : i32
        %and3A_98 = vector.broadcast %and3A : i32 to vector<16xi32>
        %and3A_99 = arith.andi %get3A_97, %and3A_98 : vector<16xi32>
        %shift_right_logical3A = arith.constant 14 : i32
        %shift_right_logical3A_100 = vector.broadcast %shift_right_logical3A : i32 to vector<16xi32>
        %shift_right_logical3A_101 = arith.shrui %get3A_97, %shift_right_logical3A_100 : vector<16xi32>
        %gather3A = tpu.vector_load_idx %arg8[%and3A_99] : memref<10000xf32, #tpu.memory_space<vmem>>[vector<16xi32>], vector<16xf32>,
        %gt3A = arith.constant 0.000000e+00 : f32
        %gt3A_102 = vector.broadcast %gt3A : f32 to vector<16xf32>
        %gt3A_103 = arith.cmpf ogt, %gather3A, %gt3A_102 : vector<16xf32>
        %get3A_104 = arith.index_cast %add3A_96 : i32 to index
        %get3A_105 = tpu.vector_load %arg12[%get3A_104] {strides = array<i32>} : memref<2000xf32, #tpu.memory_space<vmem>>, vector<16xf32>,
        %get3A_106 = arith.index_cast %add3A_96 : i32 to index
        %get3A_107 = tpu.vector_load %arg14[%get3A_106] {strides = array<i32>} : memref<2000xf32, #tpu.memory_space<vmem>>, vector<16xf32>,
        %mul3A_108 = arith.mulf %get3A_105, %get3A_107 : vector<16xf32>
        %jit3A = arith.constant 0.000000e+00 : f32
        %broadcast_in_dim3A_109 = vector.broadcast %jit3A : f32 to vector<16xf32>
        %select_n3A = arith.select %gt3A_103, %mul3A_108, %broadcast_in_dim3A_109 : vector<16xi1>, vector<16xf32>
        %mul3A_110 = arith.constant 80 : i32
        %mul3A_111 = arith.muli %scan3A_91, %mul3A_110 : i32
        %add3A_112 = arith.constant 16 : i32
        %add3A_113 = arith.addi %mul3A_111, %add3A_112 : i32
        %get3A_114 = arith.index_cast %add3A_113 : i32 to index
        %get3A_115 = tpu.vector_load %arg10[%get3A_114] {strides = array<i32>} : memref<2000xi32, #tpu.memory_space<vmem>>, vector<16xi32>,
        %and3A_116 = arith.constant 16383 : i32
        %and3A_117 = vector.broadcast %and3A_116 : i32 to vector<16xi32>
        %and3A_118 = arith.andi %get3A_115, %and3A_117 : vector<16xi32>
        %shift_right_logical3A_119 = arith.constant 14 : i32
        %shift_right_logical3A_120 = vector.broadcast %shift_right_logical3A_119 : i32 to vector<16xi32>
        %shift_right_logical3A_121 = arith.shrui %get3A_115, %shift_right_logical3A_120 : vector<16xi32>
        %gather3A_122 = tpu.vector_load_idx %arg8[%and3A_118] : memref<10000xf32, #tpu.memory_space<vmem>>[vector<16xi32>], vector<16xf32>,
        %gt3A_123 = arith.constant 0.000000e+00 : f32
        %gt3A_124 = vector.broadcast %gt3A_123 : f32 to vector<16xf32>
        %gt3A_125 = arith.cmpf ogt, %gather3A_122, %gt3A_124 : vector<16xf32>
        %get3A_126 = arith.index_cast %add3A_113 : i32 to index
        %get3A_127 = tpu.vector_load %arg12[%get3A_126] {strides = array<i32>} : memref<2000xf32, #tpu.memory_space<vmem>>, vector<16xf32>,
        %get3A_128 = arith.index_cast %add3A_113 : i32 to index
        %get3A_129 = tpu.vector_load %arg14[%get3A_128] {strides = array<i32>} : memref<2000xf32, #tpu.memory_space<vmem>>, vector<16xf32>,
        %mul3A_130 = arith.mulf %get3A_127, %get3A_129 : vector<16xf32>
        %jit3A_131 = arith.constant 0.000000e+00 : f32
        %broadcast_in_dim3A_132 = vector.broadcast %jit3A_131 : f32 to vector<16xf32>
        %select_n3A_133 = arith.select %gt3A_125, %mul3A_130, %broadcast_in_dim3A_132 : vector<16xi1>, vector<16xf32>
        %mul3A_134 = arith.constant 80 : i32
        %mul3A_135 = arith.muli %scan3A_91, %mul3A_134 : i32
        %add3A_136 = arith.constant 32 : i32
        %add3A_137 = arith.addi %mul3A_135, %add3A_136 : i32
        %get3A_138 = arith.index_cast %add3A_137 : i32 to index
        %get3A_139 = tpu.vector_load %arg10[%get3A_138] {strides = array<i32>} : memref<2000xi32, #tpu.memory_space<vmem>>, vector<16xi32>,
        %and3A_140 = arith.constant 16383 : i32
        %and3A_141 = vector.broadcast %and3A_140 : i32 to vector<16xi32>
        %and3A_142 = arith.andi %get3A_139, %and3A_141 : vector<16xi32>
        %shift_right_logical3A_143 = arith.constant 14 : i32
        %shift_right_logical3A_144 = vector.broadcast %shift_right_logical3A_143 : i32 to vector<16xi32>
        %shift_right_logical3A_145 = arith.shrui %get3A_139, %shift_right_logical3A_144 : vector<16xi32>
        %gather3A_146 = tpu.vector_load_idx %arg8[%and3A_142] : memref<10000xf32, #tpu.memory_space<vmem>>[vector<16xi32>], vector<16xf32>,
        %gt3A_147 = arith.constant 0.000000e+00 : f32
        %gt3A_148 = vector.broadcast %gt3A_147 : f32 to vector<16xf32>
        %gt3A_149 = arith.cmpf ogt, %gather3A_146, %gt3A_148 : vector<16xf32>
        %get3A_150 = arith.index_cast %add3A_137 : i32 to index
        %get3A_151 = tpu.vector_load %arg12[%get3A_150] {strides = array<i32>} : memref<2000xf32, #tpu.memory_space<vmem>>, vector<16xf32>,
        %get3A_152 = arith.index_cast %add3A_137 : i32 to index
        %get3A_153 = tpu.vector_load %arg14[%get3A_152] {strides = array<i32>} : memref<2000xf32, #tpu.memory_space<vmem>>, vector<16xf32>,
        %mul3A_154 = arith.mulf %get3A_151, %get3A_153 : vector<16xf32>
        %jit3A_155 = arith.constant 0.000000e+00 : f32
        %broadcast_in_dim3A_156 = vector.broadcast %jit3A_155 : f32 to vector<16xf32>
        %select_n3A_157 = arith.select %gt3A_149, %mul3A_154, %broadcast_in_dim3A_156 : vector<16xi1>, vector<16xf32>
        %mul3A_158 = arith.constant 80 : i32
        %mul3A_159 = arith.muli %scan3A_91, %mul3A_158 : i32
        %add3A_160 = arith.constant 48 : i32
        %add3A_161 = arith.addi %mul3A_159, %add3A_160 : i32
        %get3A_162 = arith.index_cast %add3A_161 : i32 to index
        %get3A_163 = tpu.vector_load %arg10[%get3A_162] {strides = array<i32>} : memref<2000xi32, #tpu.memory_space<vmem>>, vector<16xi32>,
        %and3A_164 = arith.constant 16383 : i32
        %and3A_165 = vector.broadcast %and3A_164 : i32 to vector<16xi32>
        %and3A_166 = arith.andi %get3A_163, %and3A_165 : vector<16xi32>
        %shift_right_logical3A_167 = arith.constant 14 : i32
        %shift_right_logical3A_168 = vector.broadcast %shift_right_logical3A_167 : i32 to vector<16xi32>
        %shift_right_logical3A_169 = arith.shrui %get3A_163, %shift_right_logical3A_168 : vector<16xi32>
        %gather3A_170 = tpu.vector_load_idx %arg8[%and3A_166] : memref<10000xf32, #tpu.memory_space<vmem>>[vector<16xi32>], vector<16xf32>,
        %gt3A_171 = arith.constant 0.000000e+00 : f32
        %gt3A_172 = vector.broadcast %gt3A_171 : f32 to vector<16xf32>
        %gt3A_173 = arith.cmpf ogt, %gather3A_170, %gt3A_172 : vector<16xf32>
        %get3A_174 = arith.index_cast %add3A_161 : i32 to index
        %get3A_175 = tpu.vector_load %arg12[%get3A_174] {strides = array<i32>} : memref<2000xf32, #tpu.memory_space<vmem>>, vector<16xf32>,
        %get3A_176 = arith.index_cast %add3A_161 : i32 to index
        %get3A_177 = tpu.vector_load %arg14[%get3A_176] {strides = array<i32>} : memref<2000xf32, #tpu.memory_space<vmem>>, vector<16xf32>,
        %mul3A_178 = arith.mulf %get3A_175, %get3A_177 : vector<16xf32>
        %jit3A_179 = arith.constant 0.000000e+00 : f32
        %broadcast_in_dim3A_180 = vector.broadcast %jit3A_179 : f32 to vector<16xf32>
        %select_n3A_181 = arith.select %gt3A_173, %mul3A_178, %broadcast_in_dim3A_180 : vector<16xi1>, vector<16xf32>
        %mul3A_182 = arith.constant 80 : i32
        %mul3A_183 = arith.muli %scan3A_91, %mul3A_182 : i32
        %add3A_184 = arith.constant 64 : i32
        %add3A_185 = arith.addi %mul3A_183, %add3A_184 : i32
        %get3A_186 = arith.index_cast %add3A_185 : i32 to index
        %get3A_187 = tpu.vector_load %arg10[%get3A_186] {strides = array<i32>} : memref<2000xi32, #tpu.memory_space<vmem>>, vector<16xi32>,
        %and3A_188 = arith.constant 16383 : i32
        %and3A_189 = vector.broadcast %and3A_188 : i32 to vector<16xi32>
        %and3A_190 = arith.andi %get3A_187, %and3A_189 : vector<16xi32>
        %shift_right_logical3A_191 = arith.constant 14 : i32
        %shift_right_logical3A_192 = vector.broadcast %shift_right_logical3A_191 : i32 to vector<16xi32>
        %shift_right_logical3A_193 = arith.shrui %get3A_187, %shift_right_logical3A_192 : vector<16xi32>
        %gather3A_194 = tpu.vector_load_idx %arg8[%and3A_190] : memref<10000xf32, #tpu.memory_space<vmem>>[vector<16xi32>], vector<16xf32>,
        %gt3A_195 = arith.constant 0.000000e+00 : f32
        %gt3A_196 = vector.broadcast %gt3A_195 : f32 to vector<16xf32>
        %gt3A_197 = arith.cmpf ogt, %gather3A_194, %gt3A_196 : vector<16xf32>
        %get3A_198 = arith.index_cast %add3A_185 : i32 to index
        %get3A_199 = tpu.vector_load %arg12[%get3A_198] {strides = array<i32>} : memref<2000xf32, #tpu.memory_space<vmem>>, vector<16xf32>,
        %get3A_200 = arith.index_cast %add3A_185 : i32 to index
        %get3A_201 = tpu.vector_load %arg14[%get3A_200] {strides = array<i32>} : memref<2000xf32, #tpu.memory_space<vmem>>, vector<16xf32>,
        %mul3A_202 = arith.mulf %get3A_199, %get3A_201 : vector<16xf32>
        %jit3A_203 = arith.constant 0.000000e+00 : f32
        %broadcast_in_dim3A_204 = vector.broadcast %jit3A_203 : f32 to vector<16xf32>
        %select_n3A_205 = arith.select %gt3A_197, %mul3A_202, %broadcast_in_dim3A_204 : vector<16xi1>, vector<16xf32>
        tpu.vector_store_idx %arg7[%shift_right_logical3A_101], %select_n3A {add = true} : memref<102400xf32, #tpu.memory_space<vmem>>[vector<16xi32>], vector<16xf32>,
        tpu.vector_store_idx %arg7[%shift_right_logical3A_121], %select_n3A_133 {add = true} : memref<102400xf32, #tpu.memory_space<vmem>>[vector<16xi32>], vector<16xf32>,
        tpu.vector_store_idx %arg7[%shift_right_logical3A_145], %select_n3A_157 {add = true} : memref<102400xf32, #tpu.memory_space<vmem>>[vector<16xi32>], vector<16xf32>,
        tpu.vector_store_idx %arg7[%shift_right_logical3A_169], %select_n3A_181 {add = true} : memref<102400xf32, #tpu.memory_space<vmem>>[vector<16xi32>], vector<16xf32>,
        tpu.vector_store_idx %arg7[%shift_right_logical3A_193], %select_n3A_205 {add = true} : memref<102400xf32, #tpu.memory_space<vmem>>[vector<16xi32>], vector<16xf32>,
        %scan3A_206 = arith.constant 0 : i32
        scf.yield %scan3A_206 : i32
      }
      %scan3A_82 = arith.constant 25 : i32
      %add3A_83 = arith.constant 2 : i32
      %add3A_84 = arith.addi %add3A_63, %add3A_83 : i32
      %lt3A_85 = arith.constant 100 : i32
      %lt3A_86 = arith.cmpi slt, %add3A_84, %lt3A_85 : i32
      %convert_element_type3A_87 = arith.extui %lt3A_86 : i1 to i32
      %cond3A_88 = arith.constant 0 : i32
      %cond3A_89 = arith.cmpi ne, %convert_element_type3A_87, %cond3A_88 : i32
      scf.if %cond3A_89 {
        %add3A_91 = arith.constant 2 : i32
        %add3A_92 = arith.addi %add3A_63, %add3A_91 : i32
        %mul3A_93 = arith.constant 2000 : i32
        %mul3A_94 = arith.muli %add3A_92, %mul3A_93 : i32
        %add3A_95 = arith.addi %mul3A_2, %mul3A_94 : i32
        %dma_start3A_96 = tpu.memref_slice %arg2[%add3A_95] : memref<6400000xi32, #tpu.memory_space<hbm>> -> memref<2000xi32, #tpu.memory_space<hbm>>
        %dma_start3A_97 = tpu.memref_slice %arg2[%add3A_95] : memref<6400000xi32, #tpu.memory_space<hbm>> -> memref<2000xi32, #tpu.memory_space<hbm>>
        tpu.enqueue_dma source(%dma_start3A_97 : memref<2000xi32, #tpu.memory_space<hbm>>) target(%arg10 : memref<2000xi32, #tpu.memory_space<vmem>>) target_semaphore(%arg16 : memref<!tpu.dma_semaphore, #tpu.memory_space<semaphore_mem>>)
        %dma_start3A_98 = tpu.memref_slice %arg3[%add3A_95] : memref<6400000xf32, #tpu.memory_space<hbm>> -> memref<2000xf32, #tpu.memory_space<hbm>>
        %dma_start3A_99 = tpu.memref_slice %arg3[%add3A_95] : memref<6400000xf32, #tpu.memory_space<hbm>> -> memref<2000xf32, #tpu.memory_space<hbm>>
        tpu.enqueue_dma source(%dma_start3A_99 : memref<2000xf32, #tpu.memory_space<hbm>>) target(%arg12 : memref<2000xf32, #tpu.memory_space<vmem>>) target_semaphore(%arg16 : memref<!tpu.dma_semaphore, #tpu.memory_space<semaphore_mem>>)
        %dma_start3A_100 = tpu.memref_slice %arg4[%add3A_95] : memref<6400000xf32, #tpu.memory_space<hbm>> -> memref<2000xf32, #tpu.memory_space<hbm>>
        %dma_start3A_101 = tpu.memref_slice %arg4[%add3A_95] : memref<6400000xf32, #tpu.memory_space<hbm>> -> memref<2000xf32, #tpu.memory_space<hbm>>
        tpu.enqueue_dma source(%dma_start3A_101 : memref<2000xf32, #tpu.memory_space<hbm>>) target(%arg14 : memref<2000xf32, #tpu.memory_space<vmem>>) target_semaphore(%arg16 : memref<!tpu.dma_semaphore, #tpu.memory_space<semaphore_mem>>)
      } else {
      }
      %scan3A_90 = arith.constant 0 : i32
      scf.yield %scan3A_90 : i32
    }
    %scan3A_31 = arith.constant 50 : i32
    "tpu.region"() ({
      %run_scoped3A = tpu.sem_alloc : memref<!tpu.dma_semaphore, #tpu.memory_space<semaphore_mem>>
      %dma_start3A_32 = arith.constant 0 : i32
      %dma_start3A_33 = tpu.memref_slice %arg6[%add3A, %dma_start3A_32] : memref<32x102400xf32, #tpu.memory_space<hbm>> -> memref<1x102400xf32, #tpu.memory_space<hbm>>
      %dma_start3A_34 = tpu.memref_squeeze %dma_start3A_33 : memref<1x102400xf32, #tpu.memory_space<hbm>> -> memref<102400xf32, #tpu.memory_space<hbm>>
      %dma_start3A_35 = arith.constant 0 : i32
      %dma_start3A_36 = tpu.memref_slice %arg6[%add3A, %dma_start3A_35] : memref<32x102400xf32, #tpu.memory_space<hbm>> -> memref<1x102400xf32, #tpu.memory_space<hbm>>
      %dma_start3A_37 = tpu.memref_squeeze %dma_start3A_36 : memref<1x102400xf32, #tpu.memory_space<hbm>> -> memref<102400xf32, #tpu.memory_space<hbm>>
      tpu.enqueue_dma source(%arg7 : memref<102400xf32, #tpu.memory_space<vmem>>) target(%dma_start3A_37 : memref<102400xf32, #tpu.memory_space<hbm>>) target_semaphore(%run_scoped3A : memref<!tpu.dma_semaphore, #tpu.memory_space<semaphore_mem>>)
      %dma_wait3A = arith.constant 0 : i32
      %dma_wait3A_38 = tpu.memref_slice %arg6[%add3A, %dma_wait3A] : memref<32x102400xf32, #tpu.memory_space<hbm>> -> memref<1x102400xf32, #tpu.memory_space<hbm>>
      %dma_wait3A_39 = tpu.memref_squeeze %dma_wait3A_38 : memref<1x102400xf32, #tpu.memory_space<hbm>> -> memref<102400xf32, #tpu.memory_space<hbm>>
      %dma_wait3A_40 = arith.constant 0 : i32
      %dma_wait3A_41 = tpu.memref_slice %arg6[%add3A, %dma_wait3A_40] : memref<32x102400xf32, #tpu.memory_space<hbm>> -> memref<1x102400xf32, #tpu.memory_space<hbm>>
      %dma_wait3A_42 = tpu.memref_squeeze %dma_wait3A_41 : memref<1x102400xf32, #tpu.memory_space<hbm>> -> memref<102400xf32, #tpu.memory_space<hbm>>
      tpu.wait_dma2 semaphore(%run_scoped3A : memref<!tpu.dma_semaphore, #tpu.memory_space<semaphore_mem>>) src(%arg7 : memref<102400xf32, #tpu.memory_space<vmem>>) dst(%dma_wait3A_42 : memref<102400xf32, #tpu.memory_space<hbm>>)
      tpu.yield
    }) : () -> ()
    return
  }
}

#map = affine_map<(d0, d1) -> (0, 0)>
#map1 = affine_map<(d0, d1) -> (0)>
module attributes {stable_mosaic.version = 14 : i64} {
  func.func @_phase2(%arg0: i32, %arg1: i32, %arg2: memref<32x102400xf32, #tpu.memory_space<hbm>>, %arg3: memref<102400xf32, #tpu.memory_space<hbm>>, %arg4: memref<32x3200xf32, #tpu.memory_space<vmem>>, %arg5: memref<3200xf32, #tpu.memory_space<vmem>>) attributes {dimension_semantics = [#tpu.dimension_semantics<core_parallel>, #tpu.dimension_semantics<subcore_parallel>], iteration_bounds = array<i64: 2, 16>, scalar_prefetch = 0 : i64, scratch_operands = 2 : i64, tpu.core_type = #tpu.core_type<sc_vector_subcore>, window_params = [{transform_indices = #map}, {transform_indices = #map1}]} {
    %mul3A = arith.constant 2 : i32
    %mul3A_0 = arith.muli %arg1, %mul3A : i32
    %add3A = arith.addi %mul3A_0, %arg0 : i32
    %mul3A_1 = arith.constant 3200 : i32
    %mul3A_2 = arith.muli %add3A, %mul3A_1 : i32
    "tpu.region"() ({
      %run_scoped3A = tpu.sem_alloc : memref<!tpu.dma_semaphore, #tpu.memory_space<semaphore_mem>>
      %dma_start3A = arith.constant 0 : i32
      %dma_start3A_9 = tpu.memref_slice %arg2[%dma_start3A, %mul3A_2] : memref<32x102400xf32, #tpu.memory_space<hbm>> -> memref<32x3200xf32, #tpu.memory_space<hbm>>
      %dma_start3A_10 = arith.constant 0 : i32
      %dma_start3A_11 = tpu.memref_slice %arg2[%dma_start3A_10, %mul3A_2] : memref<32x102400xf32, #tpu.memory_space<hbm>> -> memref<32x3200xf32, #tpu.memory_space<hbm>>
      tpu.enqueue_dma source(%dma_start3A_11 : memref<32x3200xf32, #tpu.memory_space<hbm>>) target(%arg4 : memref<32x3200xf32, #tpu.memory_space<vmem>>) target_semaphore(%run_scoped3A : memref<!tpu.dma_semaphore, #tpu.memory_space<semaphore_mem>>)
      %dma_wait3A = arith.constant 0 : i32
      %dma_wait3A_12 = tpu.memref_slice %arg2[%dma_wait3A, %mul3A_2] : memref<32x102400xf32, #tpu.memory_space<hbm>> -> memref<32x3200xf32, #tpu.memory_space<hbm>>
      %dma_wait3A_13 = arith.constant 0 : i32
      %dma_wait3A_14 = tpu.memref_slice %arg2[%dma_wait3A_13, %mul3A_2] : memref<32x102400xf32, #tpu.memory_space<hbm>> -> memref<32x3200xf32, #tpu.memory_space<hbm>>
      tpu.wait_dma2 semaphore(%run_scoped3A : memref<!tpu.dma_semaphore, #tpu.memory_space<semaphore_mem>>) src(%dma_wait3A_14 : memref<32x3200xf32, #tpu.memory_space<hbm>>) dst(%arg4 : memref<32x3200xf32, #tpu.memory_space<vmem>>)
      tpu.yield
    }) : () -> ()
    %scan3A = arith.constant 0 : i32
    %scan3A_3 = arith.constant 0 : i32
    %scan3A_4 = arith.constant 200 : i32
    %scan3A_5 = arith.addi %scan3A_3, %scan3A_4 : i32
    %scan3A_6 = arith.constant 1 : i32
    %scan3A_7 = scf.for %scan3A_9 = %scan3A_3 to %scan3A_5 step %scan3A_6 iter_args(%scan3A_10 = %scan3A) -> (i32)  : i32 {
      %mul3A_11 = arith.constant 16 : i32
      %mul3A_12 = arith.muli %scan3A_9, %mul3A_11 : i32
      %get3A = arith.constant 0 : i32
      %get3A_13 = arith.index_cast %get3A : i32 to index
      %get3A_14 = arith.index_cast %mul3A_12 : i32 to index
      %get3A_15 = tpu.vector_load %arg4[%get3A_13, %get3A_14] {strides = array<i32>} : memref<32x3200xf32, #tpu.memory_space<vmem>>, vector<16xf32>,
      %get3A_16 = arith.constant 1 : i32
      %get3A_17 = arith.index_cast %get3A_16 : i32 to index
      %get3A_18 = arith.index_cast %mul3A_12 : i32 to index
      %get3A_19 = tpu.vector_load %arg4[%get3A_17, %get3A_18] {strides = array<i32>} : memref<32x3200xf32, #tpu.memory_space<vmem>>, vector<16xf32>,
      %add3A_20 = arith.addf %get3A_15, %get3A_19 : vector<16xf32>
      %get3A_21 = arith.constant 2 : i32
      %get3A_22 = arith.index_cast %get3A_21 : i32 to index
      %get3A_23 = arith.index_cast %mul3A_12 : i32 to index
      %get3A_24 = tpu.vector_load %arg4[%get3A_22, %get3A_23] {strides = array<i32>} : memref<32x3200xf32, #tpu.memory_space<vmem>>, vector<16xf32>,
      %add3A_25 = arith.addf %add3A_20, %get3A_24 : vector<16xf32>
      %get3A_26 = arith.constant 3 : i32
      %get3A_27 = arith.index_cast %get3A_26 : i32 to index
      %get3A_28 = arith.index_cast %mul3A_12 : i32 to index
      %get3A_29 = tpu.vector_load %arg4[%get3A_27, %get3A_28] {strides = array<i32>} : memref<32x3200xf32, #tpu.memory_space<vmem>>, vector<16xf32>,
      %add3A_30 = arith.addf %add3A_25, %get3A_29 : vector<16xf32>
      %get3A_31 = arith.constant 4 : i32
      %get3A_32 = arith.index_cast %get3A_31 : i32 to index
      %get3A_33 = arith.index_cast %mul3A_12 : i32 to index
      %get3A_34 = tpu.vector_load %arg4[%get3A_32, %get3A_33] {strides = array<i32>} : memref<32x3200xf32, #tpu.memory_space<vmem>>, vector<16xf32>,
      %add3A_35 = arith.addf %add3A_30, %get3A_34 : vector<16xf32>
      %get3A_36 = arith.constant 5 : i32
      %get3A_37 = arith.index_cast %get3A_36 : i32 to index
      %get3A_38 = arith.index_cast %mul3A_12 : i32 to index
      %get3A_39 = tpu.vector_load %arg4[%get3A_37, %get3A_38] {strides = array<i32>} : memref<32x3200xf32, #tpu.memory_space<vmem>>, vector<16xf32>,
      %add3A_40 = arith.addf %add3A_35, %get3A_39 : vector<16xf32>
      %get3A_41 = arith.constant 6 : i32
      %get3A_42 = arith.index_cast %get3A_41 : i32 to index
      %get3A_43 = arith.index_cast %mul3A_12 : i32 to index
      %get3A_44 = tpu.vector_load %arg4[%get3A_42, %get3A_43] {strides = array<i32>} : memref<32x3200xf32, #tpu.memory_space<vmem>>, vector<16xf32>,
      %add3A_45 = arith.addf %add3A_40, %get3A_44 : vector<16xf32>
      %get3A_46 = arith.constant 7 : i32
      %get3A_47 = arith.index_cast %get3A_46 : i32 to index
      %get3A_48 = arith.index_cast %mul3A_12 : i32 to index
      %get3A_49 = tpu.vector_load %arg4[%get3A_47, %get3A_48] {strides = array<i32>} : memref<32x3200xf32, #tpu.memory_space<vmem>>, vector<16xf32>,
      %add3A_50 = arith.addf %add3A_45, %get3A_49 : vector<16xf32>
      %get3A_51 = arith.constant 8 : i32
      %get3A_52 = arith.index_cast %get3A_51 : i32 to index
      %get3A_53 = arith.index_cast %mul3A_12 : i32 to index
      %get3A_54 = tpu.vector_load %arg4[%get3A_52, %get3A_53] {strides = array<i32>} : memref<32x3200xf32, #tpu.memory_space<vmem>>, vector<16xf32>,
      %add3A_55 = arith.addf %add3A_50, %get3A_54 : vector<16xf32>
      %get3A_56 = arith.constant 9 : i32
      %get3A_57 = arith.index_cast %get3A_56 : i32 to index
      %get3A_58 = arith.index_cast %mul3A_12 : i32 to index
      %get3A_59 = tpu.vector_load %arg4[%get3A_57, %get3A_58] {strides = array<i32>} : memref<32x3200xf32, #tpu.memory_space<vmem>>, vector<16xf32>,
      %add3A_60 = arith.addf %add3A_55, %get3A_59 : vector<16xf32>
      %get3A_61 = arith.constant 10 : i32
      %get3A_62 = arith.index_cast %get3A_61 : i32 to index
      %get3A_63 = arith.index_cast %mul3A_12 : i32 to index
      %get3A_64 = tpu.vector_load %arg4[%get3A_62, %get3A_63] {strides = array<i32>} : memref<32x3200xf32, #tpu.memory_space<vmem>>, vector<16xf32>,
      %add3A_65 = arith.addf %add3A_60, %get3A_64 : vector<16xf32>
      %get3A_66 = arith.constant 11 : i32
      %get3A_67 = arith.index_cast %get3A_66 : i32 to index
      %get3A_68 = arith.index_cast %mul3A_12 : i32 to index
      %get3A_69 = tpu.vector_load %arg4[%get3A_67, %get3A_68] {strides = array<i32>} : memref<32x3200xf32, #tpu.memory_space<vmem>>, vector<16xf32>,
      %add3A_70 = arith.addf %add3A_65, %get3A_69 : vector<16xf32>
      %get3A_71 = arith.constant 12 : i32
      %get3A_72 = arith.index_cast %get3A_71 : i32 to index
      %get3A_73 = arith.index_cast %mul3A_12 : i32 to index
      %get3A_74 = tpu.vector_load %arg4[%get3A_72, %get3A_73] {strides = array<i32>} : memref<32x3200xf32, #tpu.memory_space<vmem>>, vector<16xf32>,
      %add3A_75 = arith.addf %add3A_70, %get3A_74 : vector<16xf32>
      %get3A_76 = arith.constant 13 : i32
      %get3A_77 = arith.index_cast %get3A_76 : i32 to index
      %get3A_78 = arith.index_cast %mul3A_12 : i32 to index
      %get3A_79 = tpu.vector_load %arg4[%get3A_77, %get3A_78] {strides = array<i32>} : memref<32x3200xf32, #tpu.memory_space<vmem>>, vector<16xf32>,
      %add3A_80 = arith.addf %add3A_75, %get3A_79 : vector<16xf32>
      %get3A_81 = arith.constant 14 : i32
      %get3A_82 = arith.index_cast %get3A_81 : i32 to index
      %get3A_83 = arith.index_cast %mul3A_12 : i32 to index
      %get3A_84 = tpu.vector_load %arg4[%get3A_82, %get3A_83] {strides = array<i32>} : memref<32x3200xf32, #tpu.memory_space<vmem>>, vector<16xf32>,
      %add3A_85 = arith.addf %add3A_80, %get3A_84 : vector<16xf32>
      %get3A_86 = arith.constant 15 : i32
      %get3A_87 = arith.index_cast %get3A_86 : i32 to index
      %get3A_88 = arith.index_cast %mul3A_12 : i32 to index
      %get3A_89 = tpu.vector_load %arg4[%get3A_87, %get3A_88] {strides = array<i32>} : memref<32x3200xf32, #tpu.memory_space<vmem>>, vector<16xf32>,
      %add3A_90 = arith.addf %add3A_85, %get3A_89 : vector<16xf32>
      %get3A_91 = arith.constant 16 : i32
      %get3A_92 = arith.index_cast %get3A_91 : i32 to index
      %get3A_93 = arith.index_cast %mul3A_12 : i32 to index
      %get3A_94 = tpu.vector_load %arg4[%get3A_92, %get3A_93] {strides = array<i32>} : memref<32x3200xf32, #tpu.memory_space<vmem>>, vector<16xf32>,
      %add3A_95 = arith.addf %add3A_90, %get3A_94 : vector<16xf32>
      %get3A_96 = arith.constant 17 : i32
      %get3A_97 = arith.index_cast %get3A_96 : i32 to index
      %get3A_98 = arith.index_cast %mul3A_12 : i32 to index
      %get3A_99 = tpu.vector_load %arg4[%get3A_97, %get3A_98] {strides = array<i32>} : memref<32x3200xf32, #tpu.memory_space<vmem>>, vector<16xf32>,
      %add3A_100 = arith.addf %add3A_95, %get3A_99 : vector<16xf32>
      %get3A_101 = arith.constant 18 : i32
      %get3A_102 = arith.index_cast %get3A_101 : i32 to index
      %get3A_103 = arith.index_cast %mul3A_12 : i32 to index
      %get3A_104 = tpu.vector_load %arg4[%get3A_102, %get3A_103] {strides = array<i32>} : memref<32x3200xf32, #tpu.memory_space<vmem>>, vector<16xf32>,
      %add3A_105 = arith.addf %add3A_100, %get3A_104 : vector<16xf32>
      %get3A_106 = arith.constant 19 : i32
      %get3A_107 = arith.index_cast %get3A_106 : i32 to index
      %get3A_108 = arith.index_cast %mul3A_12 : i32 to index
      %get3A_109 = tpu.vector_load %arg4[%get3A_107, %get3A_108] {strides = array<i32>} : memref<32x3200xf32, #tpu.memory_space<vmem>>, vector<16xf32>,
      %add3A_110 = arith.addf %add3A_105, %get3A_109 : vector<16xf32>
      %get3A_111 = arith.constant 20 : i32
      %get3A_112 = arith.index_cast %get3A_111 : i32 to index
      %get3A_113 = arith.index_cast %mul3A_12 : i32 to index
      %get3A_114 = tpu.vector_load %arg4[%get3A_112, %get3A_113] {strides = array<i32>} : memref<32x3200xf32, #tpu.memory_space<vmem>>, vector<16xf32>,
      %add3A_115 = arith.addf %add3A_110, %get3A_114 : vector<16xf32>
      %get3A_116 = arith.constant 21 : i32
      %get3A_117 = arith.index_cast %get3A_116 : i32 to index
      %get3A_118 = arith.index_cast %mul3A_12 : i32 to index
      %get3A_119 = tpu.vector_load %arg4[%get3A_117, %get3A_118] {strides = array<i32>} : memref<32x3200xf32, #tpu.memory_space<vmem>>, vector<16xf32>,
      %add3A_120 = arith.addf %add3A_115, %get3A_119 : vector<16xf32>
      %get3A_121 = arith.constant 22 : i32
      %get3A_122 = arith.index_cast %get3A_121 : i32 to index
      %get3A_123 = arith.index_cast %mul3A_12 : i32 to index
      %get3A_124 = tpu.vector_load %arg4[%get3A_122, %get3A_123] {strides = array<i32>} : memref<32x3200xf32, #tpu.memory_space<vmem>>, vector<16xf32>,
      %add3A_125 = arith.addf %add3A_120, %get3A_124 : vector<16xf32>
      %get3A_126 = arith.constant 23 : i32
      %get3A_127 = arith.index_cast %get3A_126 : i32 to index
      %get3A_128 = arith.index_cast %mul3A_12 : i32 to index
      %get3A_129 = tpu.vector_load %arg4[%get3A_127, %get3A_128] {strides = array<i32>} : memref<32x3200xf32, #tpu.memory_space<vmem>>, vector<16xf32>,
      %add3A_130 = arith.addf %add3A_125, %get3A_129 : vector<16xf32>
      %get3A_131 = arith.constant 24 : i32
      %get3A_132 = arith.index_cast %get3A_131 : i32 to index
      %get3A_133 = arith.index_cast %mul3A_12 : i32 to index
      %get3A_134 = tpu.vector_load %arg4[%get3A_132, %get3A_133] {strides = array<i32>} : memref<32x3200xf32, #tpu.memory_space<vmem>>, vector<16xf32>,
      %add3A_135 = arith.addf %add3A_130, %get3A_134 : vector<16xf32>
      %get3A_136 = arith.constant 25 : i32
      %get3A_137 = arith.index_cast %get3A_136 : i32 to index
      %get3A_138 = arith.index_cast %mul3A_12 : i32 to index
      %get3A_139 = tpu.vector_load %arg4[%get3A_137, %get3A_138] {strides = array<i32>} : memref<32x3200xf32, #tpu.memory_space<vmem>>, vector<16xf32>,
      %add3A_140 = arith.addf %add3A_135, %get3A_139 : vector<16xf32>
      %get3A_141 = arith.constant 26 : i32
      %get3A_142 = arith.index_cast %get3A_141 : i32 to index
      %get3A_143 = arith.index_cast %mul3A_12 : i32 to index
      %get3A_144 = tpu.vector_load %arg4[%get3A_142, %get3A_143] {strides = array<i32>} : memref<32x3200xf32, #tpu.memory_space<vmem>>, vector<16xf32>,
      %add3A_145 = arith.addf %add3A_140, %get3A_144 : vector<16xf32>
      %get3A_146 = arith.constant 27 : i32
      %get3A_147 = arith.index_cast %get3A_146 : i32 to index
      %get3A_148 = arith.index_cast %mul3A_12 : i32 to index
      %get3A_149 = tpu.vector_load %arg4[%get3A_147, %get3A_148] {strides = array<i32>} : memref<32x3200xf32, #tpu.memory_space<vmem>>, vector<16xf32>,
      %add3A_150 = arith.addf %add3A_145, %get3A_149 : vector<16xf32>
      %get3A_151 = arith.constant 28 : i32
      %get3A_152 = arith.index_cast %get3A_151 : i32 to index
      %get3A_153 = arith.index_cast %mul3A_12 : i32 to index
      %get3A_154 = tpu.vector_load %arg4[%get3A_152, %get3A_153] {strides = array<i32>} : memref<32x3200xf32, #tpu.memory_space<vmem>>, vector<16xf32>,
      %add3A_155 = arith.addf %add3A_150, %get3A_154 : vector<16xf32>
      %get3A_156 = arith.constant 29 : i32
      %get3A_157 = arith.index_cast %get3A_156 : i32 to index
      %get3A_158 = arith.index_cast %mul3A_12 : i32 to index
      %get3A_159 = tpu.vector_load %arg4[%get3A_157, %get3A_158] {strides = array<i32>} : memref<32x3200xf32, #tpu.memory_space<vmem>>, vector<16xf32>,
      %add3A_160 = arith.addf %add3A_155, %get3A_159 : vector<16xf32>
      %get3A_161 = arith.constant 30 : i32
      %get3A_162 = arith.index_cast %get3A_161 : i32 to index
      %get3A_163 = arith.index_cast %mul3A_12 : i32 to index
      %get3A_164 = tpu.vector_load %arg4[%get3A_162, %get3A_163] {strides = array<i32>} : memref<32x3200xf32, #tpu.memory_space<vmem>>, vector<16xf32>,
      %add3A_165 = arith.addf %add3A_160, %get3A_164 : vector<16xf32>
      %get3A_166 = arith.constant 31 : i32
      %get3A_167 = arith.index_cast %get3A_166 : i32 to index
      %get3A_168 = arith.index_cast %mul3A_12 : i32 to index
      %get3A_169 = tpu.vector_load %arg4[%get3A_167, %get3A_168] {strides = array<i32>} : memref<32x3200xf32, #tpu.memory_space<vmem>>, vector<16xf32>,
      %add3A_170 = arith.addf %add3A_165, %get3A_169 : vector<16xf32>
      %swap3A = arith.index_cast %mul3A_12 : i32 to index
      %swap3A_171 = tpu.vector_load %arg5[%swap3A] {strides = array<i32>} : memref<3200xf32, #tpu.memory_space<vmem>>, vector<16xf32>,
      tpu.vector_store %arg5[%swap3A], %add3A_170 {strides = array<i32>} : memref<3200xf32, #tpu.memory_space<vmem>>, vector<16xf32>,
      %scan3A_172 = arith.constant 0 : i32
      scf.yield %scan3A_172 : i32
    }
    %scan3A_8 = arith.constant 200 : i32
    "tpu.region"() ({
      %run_scoped3A = tpu.sem_alloc : memref<!tpu.dma_semaphore, #tpu.memory_space<semaphore_mem>>
      %dma_start3A = tpu.memref_slice %arg3[%mul3A_2] : memref<102400xf32, #tpu.memory_space<hbm>> -> memref<3200xf32, #tpu.memory_space<hbm>>
      %dma_start3A_9 = tpu.memref_slice %arg3[%mul3A_2] : memref<102400xf32, #tpu.memory_space<hbm>> -> memref<3200xf32, #tpu.memory_space<hbm>>
      tpu.enqueue_dma source(%arg5 : memref<3200xf32, #tpu.memory_space<vmem>>) target(%dma_start3A_9 : memref<3200xf32, #tpu.memory_space<hbm>>) target_semaphore(%run_scoped3A : memref<!tpu.dma_semaphore, #tpu.memory_space<semaphore_mem>>)
      %dma_wait3A = tpu.memref_slice %arg3[%mul3A_2] : memref<102400xf32, #tpu.memory_space<hbm>> -> memref<3200xf32, #tpu.memory_space<hbm>>
      %dma_wait3A_10 = tpu.memref_slice %arg3[%mul3A_2] : memref<102400xf32, #tpu.memory_space<hbm>> -> memref<3200xf32, #tpu.memory_space<hbm>>
      tpu.wait_dma2 semaphore(%run_scoped3A : memref<!tpu.dma_semaphore, #tpu.memory_space<semaphore_mem>>) src(%arg5 : memref<3200xf32, #tpu.memory_space<vmem>>) dst(%dma_wait3A_10 : memref<3200xf32, #tpu.memory_space<hbm>>)
      tpu.yield
    }) : () -> ()
    return
  }
}

</mosaic_0001>

<sc_bundles>
// kernel: kernel.4.cloned.1.call-start
scs
__scs_entry_jumppad:
0x0: {  	(pc) =	sbr.rel $0x88, $3  }
0x1: {  	(tag) =	ssettag $0x0;
	lr =	simm.s32 $0x1  }
0x2: {  	[smem:$0x3F9D] =	sst lr;
	_ =	strace $0xD0000000  }
0x3: {  	_ = 	snop  }
0x4: {  	_ = 	snop  }
0x5: {  	_ = 	snop  }
0x6: {  	_ = 	snop  }
0x7: {  	_ = 	snop  }
__scs_overlays_trampoline_lowered:
0x8: {  	[smem:$0x3FAC] =	sst s0  }
0x9: {  	[smem:$0x3FAD] =	sst s1  }
0xa: {  	[smem:$0x3FAE] =	sst s2  }
0xb: {  	[smem:$0x3FAF] =	sst s3  }
0xc: {  	[smem:$0x3FB0] =	sst s4  }
0xd: {  	[smem:$0x3FB1] =	sst s5  }
0xe: {  	[smem:$0x3FB2] =	sst s6  }
0xf: {  	[smem:$0x3FB3] =	sst s7  }
0x10: {  	[smem:$0x3FB4] =	sst s8  }
0x11: {  	[smem:$0x3FB5] =	sst s9;
	s0 =	simm.s32 @!p0 $0x0  }
0x12: {  	s1 =	sld [smem:$0x3F9B];
	s0 =	simm.s32 @p0 $0x1  }
0x13: {  	[smem:$0x3FB6] =	sst s0;
	s0 =	simm.s32 @!p1 $0x0  }
0x14: {  	s2 =	sld [smem:$0x3F9A];
	s0 =	simm.s32 @p1 $0x1  }
0x15: {  	[smem:$0x3FB7] =	sst s0;
	s0 =	simm.s32 @!p2 $0x0  }
0x16: {  	s3 =	sld [smem:$0x3FDB];
	s0 =	simm.s32 @p2 $0x1  }
0x17: {  	s4 =	simm.s32 $0x1BF5;
	[smem:$0x3FB9] =	sst s0  }
0x18: {  	s0 =	sld [smem:$0x3F9C];
	_ =	swait.ge [sflag:s4], $0x0  }
0x19: {  	s7 =	sld [smem:$0x3F9D]  }
0x1a: {  	s8 =	sadd.s32 $0xFFFFE003, lr  }
0x1b: {  	s9 =	sadd.s32 $0xFFFFFEF7, lr;
	s5 =	simm.s32 $0xFFFFFFFF;
	p2 =	slt.u32 s8, $0xFFFFF086  }
0x1c: {  	p1 =	slt.u32 s9, $0xF7A;
	s5 =	simm.s32 @!p2 $0x0  }
0x1d: {  	s5 =	simm.s32 @p1 $0x1;
	p0 =	seq.s32 s7, s2  }
0x1e: {  	s7 =	smul.u32 @!p0 $0xF7A, s2;
	p2 =	seq.s32 @!p0 s5, $0x0  }
0x1f: {  	s9 =	smul.u32 $0xF7A, s1;
	s8 =	simm.s32 @!p0 $0x1BF5;
	p2 =	por !p2, p0  }
0x20: {  	[sflag:s8] =	ssyncset.s32 @!p0 $0xFFFFF086;
	s6 =	sadd.s32 @!p0 s3, s7;
	s7 =	simm.s32 @!p0 $0x108  }
0x21: {  	s3 =	sadd.s32 s3, s9;
	s6 =	sadd.s32 @!p0 $0x88, s6;
	s7 =	simm.s32 @p2 $0x1082  }
0x22: {  	[simem:s7], [sflag:s8] =	dma.local @!p0 [hbm:s6], $0xF7A  }
0x23: {  	s9 =	sor.u32 $0xD0000000, s2;
	s6 =	simm.s32 $0x108;
	_ =	swait.ge @!p0 [sflag:s8], $0x0  }
0x24: {  	s3 =	sadd.s32 $0x88, s3;
	s6 =	simm.s32 @!p1 $0x1082;
	[sflag:s4] =	ssyncset.s32 $0xFFFFF086  }
0x25: {  	[simem:s6], [sflag:s4] =	dma.local [hbm:s3], $0xF7A  }
0x26: {  	[smem:$0x3F9D] =	sst s1;
	(tag) =	ssettag s2;
	_ =	strace s9  }
0x27: {  	s1 =	sld [smem:$0x3FAD]  }
0x28: {  	s2 =	sld [smem:$0x3FAE]  }
0x29: {  	s4 =	sld [smem:$0x3FB0]  }
0x2a: {  	p0 =	seq.s32 s5, $0x0;
	s5 =	sld [smem:$0x3FB1]  }
0x2b: {  	s6 =	sld [smem:$0x3FB2]  }
0x2c: {  	s7 =	sld [smem:$0x3FB3]  }
0x2d: {  	s3 =	simm.s32 $0x108;
	s8 =	sld [smem:$0x3FB4]  }
0x2e: {  	s3 =	simm.s32 @!p0 $0x1082;
	s9 =	sld [smem:$0x3FB5]  }
0x2f: {  	lr =	sadd.s32 s0, s3;
	s0 =	sld [smem:$0x3FAC]  }
0x30: {  	s3 =	sld [smem:$0x3FAF]  }
0x31: {  	[smem:$0x3FB8] =	sst s10  }
0x32: {  	s10 =	sld [smem:$0x3FB6];
	_ =	sdelay $0x3  }
0x33: {  	p0 =	seq.s32 s10, $0x1;
	s10 =	sld [smem:$0x3FB8];
	_ =	sdelay $0x3  }
0x34: {  	[smem:$0x3FB8] =	sst s10  }
0x35: {  	s10 =	sld [smem:$0x3FB7];
	_ =	sdelay $0x3  }
0x36: {  	p1 =	seq.s32 s10, $0x1;
	s10 =	sld [smem:$0x3FB8];
	_ =	sdelay $0x3  }
0x37: {  	[smem:$0x3FB8] =	sst s10  }
0x38: {  	s10 =	sld [smem:$0x3FB9]  }
0x39: {  	_ = 	snop;
	(pc) =	sbr.ind lr, $3  }
0x3a: {  	_ = 	snop  }
0x3b: {  	_ = 	snop  }
0x3c: {  	p2 =	seq.s32 s10, $0x1;
	s10 =	sld [smem:$0x3FB8]  }
0x3d: {  	_ =	shalt  }
0x3e: {  	_ =	shalt  }
0x3f: {  	_ =	shalt  }
0x40: {  	_ =	shalt  }
0x41: {  	_ =	shalt  }
0x42: {  	_ =	shalt  }
0x43: {  	_ =	shalt  }
0x44: {  	_ =	shalt  }
0x45: {  	_ =	shalt  }
0x46: {  	_ =	shalt  }
0x47: {  	_ =	shalt  }
0x48: {  	_ =	shalt  }
0x49: {  	_ =	shalt  }
0x4a: {  	_ =	shalt  }
0x4b: {  	_ =	shalt  }
0x4c: {  	_ =	shalt  }
0x4d: {  	_ =	shalt  }
0x4e: {  	_ =	shalt  }
0x4f: {  	_ =	shalt  }
0x50: {  	_ =	shalt  }
0x51: {  	_ =	shalt  }
0x52: {  	_ =	shalt  }
0x53: {  	_ =	shalt  }
0x54: {  	_ =	shalt  }
0x55: {  	_ =	shalt  }
0x56: {  	_ =	shalt  }
0x57: {  	_ =	shalt  }
0x58: {  	_ =	shalt  }
0x59: {  	_ =	shalt  }
0x5a: {  	_ =	shalt  }
0x5b: {  	_ =	shalt  }
0x5c: {  	_ =	shalt  }
0x5d: {  	_ =	shalt  }
0x5e: {  	_ =	shalt  }
0x5f: {  	_ =	shalt  }
0x60: {  	_ =	shalt  }
0x61: {  	_ =	shalt  }
0x62: {  	_ =	shalt  }
0x63: {  	_ =	shalt  }
0x64: {  	_ =	shalt  }
0x65: {  	_ =	shalt  }
0x66: {  	_ =	shalt  }
0x67: {  	_ =	shalt  }
0x68: {  	_ =	shalt  }
0x69: {  	_ =	shalt  }
0x6a: {  	_ =	shalt  }
0x6b: {  	_ =	shalt  }
0x6c: {  	_ =	shalt  }
0x6d: {  	_ =	shalt  }
0x6e: {  	_ =	shalt  }
0x6f: {  	_ =	shalt  }
0x70: {  	_ =	shalt  }
0x71: {  	_ =	shalt  }
0x72: {  	_ =	shalt  }
0x73: {  	_ =	shalt  }
0x74: {  	_ =	shalt  }
0x75: {  	_ =	shalt  }
0x76: {  	_ =	shalt  }
0x77: {  	_ =	shalt  }
0x78: {  	_ =	shalt  }
0x79: {  	_ =	shalt  }
0x7a: {  	_ =	shalt  }
0x7b: {  	_ =	shalt  }
0x7c: {  	_ =	shalt  }
0x7d: {  	_ =	shalt  }
0x7e: {  	_ =	shalt  }
0x7f: {  	_ =	shalt  }
0x80: {  	_ =	shalt  }
0x81: {  	_ =	shalt  }
0x82: {  	_ =	shalt  }
0x83: {  	_ =	shalt  }
0x84: {  	_ =	shalt  }
0x85: {  	_ =	shalt  }
0x86: {  	_ =	shalt  }
0x87: {  	_ =	shalt  }
.Lfunc_end0:
.L_simem_size_0:
called_computation_lowered:
.L_overlay_start_0:
0x88: {  	s2 =	sld [smem:$0x3FD9]  }
0x89: {  	s3 =	sld [smem:$0x3FFE];
	_ =	sdelay $0x1  }
0x8a: {  	s1 =	srdreg.scid  }
0x8b: {  	s0 =	sand.u32 $0x1, s1  }
0x8c: {  	s17 =	sshll.u32 s0, $0xA;
	s2 =	sadd.s32 s3, s2  }
0x8d: {  	s2 =	sadd.s32 s2, s17  }
0x8e: {  	[smem:$0x3FC4] =	sst s2  }
0x8f: {  	_ = 	snop  }
0x90: {  	s2 =	sld [smem:$0x3FC7]  }
0x91: {  	s18 =	sld [smem:$0x3FC6]  }
0x92: {  	s4 =	sld [smem:$0x3FD0];
	(tm) =	ssettm $0x1  }
0x93: {  	s5 =	sld [smem:$0x3FFB];
	_ =	sdelay $0x3  }
0x94: {  	_ =	strace s5  }
0x95: {  	s5 =	sld [smem:$0x3FFC];
	_ =	sdelay $0x3  }
0x96: {  	_ =	strace s5  }
0x97: {  	s5 =	sld [smem:$0x3FFD];
	_ =	sdelay $0x3  }
0x98: {  	_ =	strace s5  }
0x99: {  	_ =	strace $0x8FFFFFFF  }
0x9a: {  	s19 =	sld [smem:$0x3FDB];
	_ =	sdelay $0x1  }
0x9b: {  	s6 =	simm.s32 $_scs_section_size  }
0x9c: {  	s7 =	simm.s32 $_size__tile_overlayer_lowered;
	s8 =	simm.s32 $_tile_overlayer_lowered  }
0x9d: {  	s22 =	simm.s32 $0x1BFF;
	s21 =	sshll.u32 s8, $0x1;
	s5 =	sadd.s32 s6, s19  }
0x9e: {  	s9 =	simm.s32 $0x0;
	s20 =	sshll.u32 s7, $0x1;
	s7 =	sadd.s32 s21, s5  }
0x9f: {  	[timem:s9], [sflag:s22] =	dma.local [hbm:s7], s20  }
0xa0: {  	_ =	swait.ge [sflag:s22], s20  }
0xa1: {  	s6 =	ssub.s32 $0x0, s20;
	[sflag:s22] =	ssyncset.done $0x0  }
0xa2: {  	[sflag:s22] =	ssyncadd.s32 s6;
	_ =	sdelay $0x1  }
0xa3: {  	s23 =	simm.s32 $0x1B8B  }
0xa4: {  	_ =	swait.ge [sflag:s23], $0x1  }
0xa5: {  	[sflag:s23] =	ssyncset.done $0x0  }
0xa6: {  	s25 =	simm.s32 $0x1B8E;
	s24 =	sld [smem:$0x3FFE];
	[sflag:s23] =	ssyncadd.s32 $0xFFFFFFFF  }
0xa7: {  	s26 =	simm.s32 $execute0_lowered;
	[smem:$0x3FD2] =	sst s25  }
0xa8: {  	s7 =	sshll.u32 s26, $0x1;
	_ =	strace $0x80000046;
	[dreg:$0x1] =	wrdreg $0xFFFFFFFF  }
0xa9: {  	s28 =	simm.s32 $_size_execute0_lowered;
	s5 =	sadd.s32 s5, s7;
	[dreg:$0x0] =	wrdreg $0x0  }
0xaa: {  	s7 =	sshll.u32 s28, $0x1;
	[dreg:$0x2] =	wrdreg s5  }
0xab: {  	[dreg:$0x3] =	wrdreg s7  }
0xac: {  	[dreg:$0x4] =	wrdreg $0xC0  }
0xad: {  	_ =	task [dreg:s9], $0x5FFFF  }
0xae: {  	[dreg:$0x1] =	wrdreg $0xFFFFFFFF  }
0xaf: {  	[dreg:$0x0] =	wrdreg $0x60  }
0xb0: {  	[dreg:$0x2] =	wrdreg s24  }
0xb1: {  	[dreg:$0x3] =	wrdreg s2  }
0xb2: {  	[dreg:$0x4] =	wrdreg s18  }
0xb3: {  	[dreg:$0x5] =	wrdreg s4  }
0xb4: {  	[dreg:$0x6] =	wrdreg $0x9  }
0xb5: {  	_ =	task.clear_ibuf [dreg:s9], $0x7FFFF;
	_ =	strace $0x90000046  }
0xb6: {  	s29 =	simm.s32 $0x9;
	_ =	strace $0x80000048  }
0xb7: {  	_ =	swait.ge [sflag:s29], $0x1  }
0xb8: {  	[sflag:s29] =	ssyncadd.s32 $0xFFFFFFFF  }
0xb9: {  	_ =	strace $0x90000048  }
0xba: {  	_ =	sfence  }
0xbb: {  	s30 =	sld [smem:$0x0];
	_ =	sdelay $0x2  }
0xbc: {  	s31 =	sshll.u32 s1, $0xD;
	s1 =	sshrl.u32 s1, $0x2  }
0xbd: {  	s3 =	sand.u32 $0x4000, s31;
	s1 =	sadd.s32 s1, s30  }
0xbe: {  	s0 =	sor.u32 s3, s0;
	s1 =	sshll.u32 s1, $0x11  }
0xbf: {  	s0 =	sor.u32 s1, s0  }
0xc0: {  	s0 =	sadd.s32 $0x8F2B, s0  }
0xc1: {  	[sflag:s0] =	ssyncadd.remote.s32 $0x1  }
0xc2: {  	_ =	sfence.sel $0xFFFF  }
0xc3: {  	[dreg:$0x0] =	wrdreg $0xFFFFFFFF;
	(pc) =	sbr.abs _section_cstart, $3  }
0xc4: {  	[dreg:$0x1] =	wrdreg $0xFFFFFFFF  }
0xc5: {  	_ =	task.clear_ibuf [dreg:s9], $0x2FFFF;
	_ =	strace $0x9FFFFFFF  }
0xc6: {  	(tm) =	ssettm $0x7FFFFFFF  }
0xc7: {  	_ =	shalt  }
tec
execute0_lowered:
.L_overlay_start_1:
0x0: {  	(tag) =	ssettag $0x1  }
0x1: {  	s0 =	rddreg [dreg:$0x0]  }
0x2: {  	s2 =	rddreg [dreg:$0x1]  }
0x3: {  	s3 =	rddreg [dreg:$0x2]  }
0x4: {  	s1 =	srdreg.scid;
	s4 =	stileid.u32;
	s5 =	simm.s32 $0x0  }
0x5: {  	s17 =	simm.s32 $0x19000;
	s18 =	simm.s32 $0x3;
	s20 =	simm.s32 $0x1C780  }
0x6: {  	s21 =	simm.s32 $0x1D780;
	s22 =	simm.s32 $0x1BF80;
	s23 =	simm.s32 $0x1CF80  }
0x7: {  	s24 =	simm.s32 $0x1DF80;
	s25 =	simm.s32 $0x1;
	s26 =	simm.s32 $0x2  }
0x8: {  	s28 =	simm.s32 $0x80;
	s29 =	simm.s32 $0x400;
	s30 =	simm.s32 $0x0  }
0x9: {  	s1 =	sand.u32 $0x1, s1;
	s6 =	sshll.u32 s4, $0x1;
	s7 =	sshrl.u32 s4, $0x2  }
0xa: {  	[smem:$0x7FF] =	sst s5;
	s6 =	sor.u32 s1, s6;
	s7 =	smul.u32 $0xC8000, s7  }
0xb: {  	_ =	strace $0x80000047;
	s1 =	ssub.s32 $0x2, s1;
	s8 =	sshll.u32 s6, $0x7  }
0xc: {  	s14 =	smul.u32 $0x30D40, s6;
	s31 =	sshrl.u32 s1, $0x1;
	s8 =	sand.u32 $0x380, s8  }
0xd: {  	s6 =	sadd.s32 $0x600, s0;
	s1 =	ssub.s32 s1, s31;
	s7 =	sor.u32 s7, s8  }
.Ltmp0:
0xe: {  	s9 =	sshrl.u32 s14, $0x3;
	s13 =	sadd.s32 $0xFA0, s14;
	(pc) =	sbr.rel .LBB2_1-.Ltmp0, $4  }
0xf: {  	s14 =	sadd.s32 $0x1770, s14;
	s16 =	smax.u32 s1, $0x1;
	s7 =	sshrl.u32 s7, $0x3  }
0x10: {  	s8 =	sadd.s32 s2, s9;
	s12 =	sadd.s32 $0xFA, s9;
	s0 =	sadd.s32 s7, s0  }
0x11: {  	s7 =	sadd.s32 s6, s9;
	s9 =	sadd.s32 s3, s9;
	s10 =	sadd.s32 s6, s12  }
0x12: {  	v0 =	vimm.f32 $0.0e+00;
	s11 =	sadd.s32 s2, s12;
	s12 =	sadd.s32 s3, s12;
	s15 =	sadd.s32 $0xC3C00, s0  }
.LBB2_10:
0x13: {  	s30 =	sadd.s32 $0x1, s30  }
0x14: {  	p0 =	sne.s32 s30, s16  }
.Ltmp1:
0x15: {  	_ = 	snop;
	(pc) =	sbr.rel @!p0 .LBB2_11-.Ltmp1, $4  }
0x16: {  	[hbm4b:s15+s28] =	stream.strided.scatter [tilespmem:s5], [sflag:$0x3], $0x19000, s29, s28, $0x38;
	[tilespmem:$0x1E780] =	vst v63  }
0x17: {  	_ =	swait.ge [sflag:s18], $0x19000  }
0x18: {  	[sflag:s18] =	ssyncset.done $0x0  }
0x19: {  	[sflag:s18] =	ssyncadd.s32 $0xFFFE7000  }
.LBB2_1:
0x1a: {  	s0 =	simm.s32 $0x0;
	s1 =	simm.s32 $0x200  }
.LBB2_2:
0x1b: {  	p0 =	sne.s32 s1, $0x63E00;
	[tilespmem:s0+$0x70] =	vst v0  }
0x1c: {  	[tilespmem:s0+$0x0] =	vst v0  }
0x1d: {  	[tilespmem:s0+$0x10] =	vst v0  }
.Ltmp2:
0x1e: {  	[tilespmem:s0+$0x20] =	vst v0;
	(pc) =	sbr.rel @p0 .LBB2_2-.Ltmp2, $4  }
0x1f: {  	[tilespmem:s0+$0x30] =	vst v0  }
0x20: {  	[tilespmem:s0+$0x40] =	vst v0  }
0x21: {  	[tilespmem:s0+$0x50] =	vst v0  }
0x22: {  	[tilespmem:s0+$0x60] =	vst v0;
	s0 =	sshra.s32 s1, $0x2;
	s1 =	sadd.s32 $0x200, s1  }
0x23: {  	[tilespmem:s0+$0x70] =	vst v0  }
0x24: {  	[tilespmem:s0+$0x0] =	vst v0  }
0x25: {  	[tilespmem:s0+$0x10] =	vst v0  }
0x26: {  	[tilespmem:s0+$0x20] =	vst v0  }
0x27: {  	[tilespmem:s0+$0x30] =	vst v0  }
0x28: {  	[tilespmem:s0+$0x40] =	vst v0  }
0x29: {  	[tilespmem:s0+$0x50] =	vst v0  }
0x2a: {  	[tilespmem:s0+$0x60] =	vst v0;
	s31 =	simm.s32 $0x0;
	s4 =	rddreg [dreg:$0x3]  }
0x2b: {  	[tilespmem:s17], [sflag:$0x3] =	stream.linear.gather [hbm4b:s4+s31], $0x2780, $0x38;
	[tilespmem:$0x1E780] =	vst v63  }
0x2c: {  	_ =	swait.ge [sflag:s18], $0x2780  }
0x2d: {  	[sflag:s18] =	ssyncset.done $0x0  }
0x2e: {  	s19 =	simm.s32 $0x1B780;
	[sflag:s18] =	ssyncadd.s32 $0xFFFFD880  }
0x2f: {  	[tilespmem:s19], [sflag:$0x1] =	stream.linear.gather [hbm4b:s7+s31], $0x7D0, $0x38;
	[tilespmem:$0x1E780] =	vst v63  }
0x30: {  	_ = 	snop  }
0x31: {  	[tilespmem:s20], [sflag:$0x1] =	stream.linear.gather [hbm4b:s8+s31], $0x7D0, $0x38;
	[tilespmem:$0x1E780] =	vst v63  }
0x32: {  	_ = 	snop  }
0x33: {  	[tilespmem:s21], [sflag:$0x1] =	stream.linear.gather [hbm4b:s9+s31], $0x7D0, $0x38;
	[tilespmem:$0x1E780] =	vst v63  }
0x34: {  	_ = 	snop  }
0x35: {  	[tilespmem:s22], [sflag:$0x2] =	stream.linear.gather [hbm4b:s10+s31], $0x7D0, $0x38;
	[tilespmem:$0x1E780] =	vst v63  }
0x36: {  	_ = 	snop  }
0x37: {  	[tilespmem:s23], [sflag:$0x2] =	stream.linear.gather [hbm4b:s11+s31], $0x7D0, $0x38;
	[tilespmem:$0x1E780] =	vst v63  }
0x38: {  	_ = 	snop  }
0x39: {  	[tilespmem:s24], [sflag:$0x2] =	stream.linear.gather [hbm4b:s12+s31], $0x7D0, $0x38;
	[tilespmem:$0x1E780] =	vst v63  }
.LBB2_4:
0x3a: {  	_ =	swait.ge [sflag:s25], $0x7D0  }
0x3b: {  	[sflag:s25] =	ssyncset.done $0x0  }
0x3c: {  	[sflag:s25] =	ssyncadd.s32 $0xFFFFF830  }
0x3d: {  	_ =	swait.ge [sflag:s25], $0x7D0  }
0x3e: {  	[sflag:s25] =	ssyncset.done $0x0  }
0x3f: {  	[sflag:s25] =	ssyncadd.s32 $0xFFFFF830  }
0x40: {  	_ =	swait.ge [sflag:s25], $0x7D0  }
0x41: {  	[sflag:s25] =	ssyncset.done $0x0  }
0x42: {  	s0 =	simm.s32 $0x0;
	[sflag:s25] =	ssyncadd.s32 $0xFFFFF830  }
0x43: {  	v1 =	vld [tilespmem:s0+$0x1D7C0]  }
0x44: {  	v2 =	vld [tilespmem:s0+$0x1B7C0]  }
0x45: {  	v4 =	vld [tilespmem:s0+$0x1B7B0]  }
0x46: {  	v7 =	vld [tilespmem:s0+$0x1B790]  }
0x47: {  	v6 =	vld [tilespmem:s0+$0x1B7A0]  }
0x48: {  	v10 =	vld [tilespmem:s0+$0x1B780]  }
0x49: {  	v3 =	vld [tilespmem:s0+$0x1C7C0]  }
0x4a: {  	v5 =	vld [tilespmem:s0+$0x1C7A0]  }
0x4b: {  	v12 =	vld [tilespmem:s0+$0x1D790];
	v14 =	vand.u32 $0x3FFF, v7  }
0x4c: {  	v17 =	vld [tilespmem:s0+$0x1C790]  }
0x4d: {  	v13 =	vld [tilespmem:s0+$0x1D780];
	v19 =	vand.u32 $0x3FFF, v10  }
0x4e: {  	v15 =	vld [tilespmem:s0+$0x1C780]  }
0x4f: {  	v11 =	vld [tilespmem:s0+$0x1D7A0];
	v18 =	vand.u32 $0x3FFF, v6  }
0x50: {  	v16 =	vld.idx.msk [tilespmem:v14+s17+$0x0], $0xffff;
	v14 =	vand.u32 $0x3FFF, v4  }
0x51: {  	v8 =	vld [tilespmem:s0+$0x1D7B0];
	v9 =	vand.u32 $0x3FFF, v2  }
0x52: {  	s1 =	simm.s32 $0x140;
	v12 =	vmul.f32 v12, v17;
	v17 =	vld.idx.msk [tilespmem:v19+s17+$0x0], $0xffff  }
.LBB2_5:
0x53: {  	p0 =	sne.s32 s1, $0x1E00;
	v19 =	vld [tilespmem:s0+$0x1C7B0];
	s0 =	smov.u32 s1;
	s1 =	sadd.s32 $0x140, s1  }
0x54: {  	v10 =	vshrl.u32 v10, $0xE;
	v18 =	vld.idx.msk [tilespmem:v18+s17+$0x0], $0xffff  }
0x55: {  	v7 =	vshrl.u32 v7, $0xE;
	v14 =	vld.idx.msk [tilespmem:v14+s17+$0x0], $0xffff  }
0x56: {  	v13 =	vmul.f32 v13, v15;
	v6 =	vshrl.u32 v6, $0xE;
	v9 =	vld.idx.msk [tilespmem:v9+s17+$0x0], $0xffff  }
0x57: {  	v4 =	vshrl.u32 v4, $0xE;
	vm0 =	vgt.f32 v16, $0.0e+00  }
0x58: {  	s0 =	sshra.s32 s0, $0x2;
	v5 =	vmul.f32 v11, v5;
	vm1 =	vgt.f32 v17, $0.0e+00;
	v12 =	vnsel vm0, $0x0, v12  }
0x59: {  	v2 =	vshrl.u32 v2, $0xE;
	v11 =	vnsel vm1, $0x0, v13;
	v8 =	vmul.f32 v8, v19  }
0x5a: {  	v1 =	vmul.f32 v1, v3;
	vm0 =	vgt.f32 v18, $0.0e+00;
	[tilespmem:v10+s5+$0x0] =	vst.idx.add.f32.msk $0xffff, v11  }
0x5b: {  	v3 =	vnsel vm0, $0x0, v5;
	vm0 =	vgt.f32 v14, $0.0e+00;
	[tilespmem:v7+s5+$0x0] =	vst.idx.add.f32.msk $0xffff, v12  }
0x5c: {  	v5 =	vnsel vm0, $0x0, v8;
	vm0 =	vgt.f32 v9, $0.0e+00;
	[tilespmem:v6+s5+$0x0] =	vst.idx.add.f32.msk $0xffff, v3  }
0x5d: {  	v1 =	vnsel vm0, $0x0, v1;
	[tilespmem:v4+s5+$0x0] =	vst.idx.add.f32.msk $0xffff, v5  }
0x5e: {  	[tilespmem:v2+s5+$0x0] =	vst.idx.add.f32.msk $0xffff, v1  }
0x5f: {  	v1 =	vld [tilespmem:s0+$0x1D7C0]  }
0x60: {  	v2 =	vld [tilespmem:s0+$0x1B7C0]  }
0x61: {  	v4 =	vld [tilespmem:s0+$0x1B7B0]  }
0x62: {  	v6 =	vld [tilespmem:s0+$0x1B7A0]  }
0x63: {  	v7 =	vld [tilespmem:s0+$0x1B790]  }
0x64: {  	v10 =	vld [tilespmem:s0+$0x1B780]  }
0x65: {  	v9 =	vand.u32 $0x3FFF, v2;
	v3 =	vld [tilespmem:s0+$0x1C7C0]  }
0x66: {  	v5 =	vld [tilespmem:s0+$0x1C7A0];
	v14 =	vand.u32 $0x3FFF, v4  }
0x67: {  	v12 =	vld [tilespmem:s0+$0x1D790];
	v18 =	vand.u32 $0x3FFF, v6  }
0x68: {  	v16 =	vand.u32 $0x3FFF, v7;
	v17 =	vld [tilespmem:s0+$0x1C790]  }
0x69: {  	v19 =	vand.u32 $0x3FFF, v10;
	v13 =	vld [tilespmem:s0+$0x1D780]  }
.Ltmp3:
0x6a: {  	v15 =	vld [tilespmem:s0+$0x1C780];
	(pc) =	sbr.rel @p0 .LBB2_5-.Ltmp3, $4  }
0x6b: {  	v11 =	vld [tilespmem:s0+$0x1D7A0]  }
0x6c: {  	v8 =	vld [tilespmem:s0+$0x1D7B0]  }
0x6d: {  	v16 =	vld.idx.msk [tilespmem:v16+s17+$0x0], $0xffff;
	v12 =	vmul.f32 v12, v17  }
0x6e: {  	v17 =	vld.idx.msk [tilespmem:v19+s17+$0x0], $0xffff  }
0x6f: {  	_ =	sdelay $0x2  }
0x70: {  	v19 =	vld [tilespmem:s0+$0x1C7B0]  }
0x71: {  	v10 =	vshrl.u32 v10, $0xE;
	v18 =	vld.idx.msk [tilespmem:v18+s17+$0x0], $0xffff  }
0x72: {  	v7 =	vshrl.u32 v7, $0xE;
	v14 =	vld.idx.msk [tilespmem:v14+s17+$0x0], $0xffff  }
0x73: {  	v13 =	vmul.f32 v13, v15;
	v6 =	vshrl.u32 v6, $0xE;
	v9 =	vld.idx.msk [tilespmem:v9+s17+$0x0], $0xffff  }
0x74: {  	v4 =	vshrl.u32 v4, $0xE;
	v2 =	vshrl.u32 v2, $0xE;
	vm1 =	vgt.f32 v17, $0.0e+00  }
0x75: {  	p0 =	seq.s32 s31, $0x31;
	v5 =	vmul.f32 v11, v5;
	vm0 =	vgt.f32 v16, $0.0e+00;
	v11 =	vnsel vm1, $0x0, v13  }
0x76: {  	s0 =	smul.u32 @!p0 $0xFA0, s31;
	v12 =	vnsel vm0, $0x0, v12;
	v8 =	vmul.f32 v8, v19;
	vm13 =	vgt.f32 v18, $0.0e+00;
	[tilespmem:v10+s5+$0x0] =	vst.idx.add.f32.msk $0xffff, v11  }
0x77: {  	v1 =	vmul.f32 v1, v3;
	vm14 =	vgt.f32 v14, $0.0e+00;
	v3 =	vnsel vm13, $0x0, v5;
	[tilespmem:v7+s5+$0x0] =	vst.idx.add.f32.msk $0xffff, v12  }
0x78: {  	s0 =	sadd.s32 @!p0 s0, s13;
	vm15 =	vgt.f32 v9, $0.0e+00;
	v5 =	vnsel vm14, $0x0, v8;
	[tilespmem:v6+s5+$0x0] =	vst.idx.add.f32.msk $0xffff, v3  }
0x79: {  	s0 =	sshrl.u32 @!p0 s0, $0x3;
	v1 =	vnsel vm15, $0x0, v1;
	[tilespmem:v4+s5+$0x0] =	vst.idx.add.f32.msk $0xffff, v5  }
0x7a: {  	s4 =	simm.s32 @!p0 $0x0;
	s19 =	simm.s32 @!p0 $0x1B780;
	s1 =	sadd.s32 @!p0 s6, s0;
	[tilespmem:v2+s5+$0x0] =	vst.idx.add.f32.msk $0xffff, v1  }
0x7b: {  	[tilespmem:s19], [sflag:$0x1] =	stream.linear.gather @!p0 [hbm4b:s1+s4], $0x7D0, $0x38;
	[tilespmem:$0x1E780] =	vst v63  }
0x7c: {  	s1 =	sadd.s32 @!p0 s2, s0;
	s19 =	simm.s32 @!p0 $0x1C780  }
0x7d: {  	[tilespmem:s19], [sflag:$0x1] =	stream.linear.gather @!p0 [hbm4b:s1+s4], $0x7D0, $0x38;
	[tilespmem:$0x1E780] =	vst v63  }
0x7e: {  	s0 =	sadd.s32 @!p0 s3, s0;
	s1 =	simm.s32 @!p0 $0x1D780  }
0x7f: {  	[tilespmem:s1], [sflag:$0x1] =	stream.linear.gather @!p0 [hbm4b:s0+s4], $0x7D0, $0x38;
	[tilespmem:$0x1E780] =	vst v63  }
0x80: {  	_ =	swait.ge [sflag:s26], $0x7D0  }
0x81: {  	[sflag:s26] =	ssyncset.done $0x0  }
0x82: {  	[sflag:s26] =	ssyncadd.s32 $0xFFFFF830  }
0x83: {  	_ =	swait.ge [sflag:s26], $0x7D0  }
0x84: {  	[sflag:s26] =	ssyncset.done $0x0  }
0x85: {  	[sflag:s26] =	ssyncadd.s32 $0xFFFFF830  }
0x86: {  	_ =	swait.ge [sflag:s26], $0x7D0  }
0x87: {  	[sflag:s26] =	ssyncset.done $0x0  }
0x88: {  	s0 =	simm.s32 $0x0;
	[sflag:s26] =	ssyncadd.s32 $0xFFFFF830  }
0x89: {  	v1 =	vld [tilespmem:s0+$0x1DFC0]  }
0x8a: {  	v2 =	vld [tilespmem:s0+$0x1BFC0]  }
0x8b: {  	v4 =	vld [tilespmem:s0+$0x1BFB0]  }
0x8c: {  	v7 =	vld [tilespmem:s0+$0x1BF90]  }
0x8d: {  	v6 =	vld [tilespmem:s0+$0x1BFA0]  }
0x8e: {  	v10 =	vld [tilespmem:s0+$0x1BF80]  }
0x8f: {  	v3 =	vld [tilespmem:s0+$0x1CFC0]  }
0x90: {  	v5 =	vld [tilespmem:s0+$0x1CFA0]  }
0x91: {  	v13 =	vld [tilespmem:s0+$0x1DF90];
	v14 =	vand.u32 $0x3FFF, v7  }
0x92: {  	v17 =	vld [tilespmem:s0+$0x1CF90]  }
0x93: {  	v12 =	vld [tilespmem:s0+$0x1DF80];
	v19 =	vand.u32 $0x3FFF, v10  }
0x94: {  	v15 =	vld [tilespmem:s0+$0x1CF80]  }
0x95: {  	v11 =	vld [tilespmem:s0+$0x1DFA0];
	v18 =	vand.u32 $0x3FFF, v6  }
0x96: {  	v16 =	vld.idx.msk [tilespmem:v14+s17+$0x0], $0xffff;
	v14 =	vand.u32 $0x3FFF, v4  }
0x97: {  	v8 =	vld [tilespmem:s0+$0x1DFB0];
	v9 =	vand.u32 $0x3FFF, v2  }
0x98: {  	s1 =	simm.s32 $0x140;
	v13 =	vmul.f32 v13, v17;
	v17 =	vld.idx.msk [tilespmem:v19+s17+$0x0], $0xffff  }
.LBB2_7:
0x99: {  	p1 =	sne.s32 s1, $0x1E00;
	v19 =	vld [tilespmem:s0+$0x1CFB0];
	s0 =	smov.u32 s1;
	s1 =	sadd.s32 $0x140, s1  }
0x9a: {  	v10 =	vshrl.u32 v10, $0xE;
	v18 =	vld.idx.msk [tilespmem:v18+s17+$0x0], $0xffff  }
0x9b: {  	v7 =	vshrl.u32 v7, $0xE;
	v14 =	vld.idx.msk [tilespmem:v14+s17+$0x0], $0xffff  }
0x9c: {  	v12 =	vmul.f32 v12, v15;
	v6 =	vshrl.u32 v6, $0xE;
	v9 =	vld.idx.msk [tilespmem:v9+s17+$0x0], $0xffff  }
0x9d: {  	v4 =	vshrl.u32 v4, $0xE;
	vm0 =	vgt.f32 v16, $0.0e+00  }
0x9e: {  	s0 =	sshra.s32 s0, $0x2;
	v5 =	vmul.f32 v11, v5;
	vm1 =	vgt.f32 v17, $0.0e+00;
	v13 =	vnsel vm0, $0x0, v13  }
0x9f: {  	v2 =	vshrl.u32 v2, $0xE;
	v11 =	vnsel vm1, $0x0, v12;
	v8 =	vmul.f32 v8, v19  }
0xa0: {  	v1 =	vmul.f32 v1, v3;
	vm0 =	vgt.f32 v18, $0.0e+00;
	[tilespmem:v10+s5+$0x0] =	vst.idx.add.f32.msk $0xffff, v11  }
0xa1: {  	v3 =	vnsel vm0, $0x0, v5;
	vm0 =	vgt.f32 v14, $0.0e+00;
	[tilespmem:v7+s5+$0x0] =	vst.idx.add.f32.msk $0xffff, v13  }
0xa2: {  	v5 =	vnsel vm0, $0x0, v8;
	vm0 =	vgt.f32 v9, $0.0e+00;
	[tilespmem:v6+s5+$0x0] =	vst.idx.add.f32.msk $0xffff, v3  }
0xa3: {  	v1 =	vnsel vm0, $0x0, v1;
	[tilespmem:v4+s5+$0x0] =	vst.idx.add.f32.msk $0xffff, v5  }
0xa4: {  	[tilespmem:v2+s5+$0x0] =	vst.idx.add.f32.msk $0xffff, v1  }
0xa5: {  	v1 =	vld [tilespmem:s0+$0x1DFC0]  }
0xa6: {  	v2 =	vld [tilespmem:s0+$0x1BFC0]  }
0xa7: {  	v4 =	vld [tilespmem:s0+$0x1BFB0]  }
0xa8: {  	v6 =	vld [tilespmem:s0+$0x1BFA0]  }
0xa9: {  	v7 =	vld [tilespmem:s0+$0x1BF90]  }
0xaa: {  	v10 =	vld [tilespmem:s0+$0x1BF80]  }
0xab: {  	v9 =	vand.u32 $0x3FFF, v2;
	v3 =	vld [tilespmem:s0+$0x1CFC0]  }
0xac: {  	v5 =	vld [tilespmem:s0+$0x1CFA0];
	v14 =	vand.u32 $0x3FFF, v4  }
0xad: {  	v13 =	vld [tilespmem:s0+$0x1DF90];
	v18 =	vand.u32 $0x3FFF, v6  }
0xae: {  	v16 =	vand.u32 $0x3FFF, v7;
	v17 =	vld [tilespmem:s0+$0x1CF90]  }
0xaf: {  	v19 =	vand.u32 $0x3FFF, v10;
	v12 =	vld [tilespmem:s0+$0x1DF80]  }
.Ltmp4:
0xb0: {  	v15 =	vld [tilespmem:s0+$0x1CF80];
	(pc) =	sbr.rel @p1 .LBB2_7-.Ltmp4, $4  }
0xb1: {  	v11 =	vld [tilespmem:s0+$0x1DFA0]  }
0xb2: {  	v8 =	vld [tilespmem:s0+$0x1DFB0]  }
0xb3: {  	v16 =	vld.idx.msk [tilespmem:v16+s17+$0x0], $0xffff;
	v13 =	vmul.f32 v13, v17  }
0xb4: {  	v17 =	vld.idx.msk [tilespmem:v19+s17+$0x0], $0xffff  }
0xb5: {  	_ =	sdelay $0x2  }
0xb6: {  	v19 =	vld [tilespmem:s0+$0x1CFB0]  }
0xb7: {  	v10 =	vshrl.u32 v10, $0xE;
	v18 =	vld.idx.msk [tilespmem:v18+s17+$0x0], $0xffff  }
0xb8: {  	v7 =	vshrl.u32 v7, $0xE;
	v14 =	vld.idx.msk [tilespmem:v14+s17+$0x0], $0xffff  }
0xb9: {  	v12 =	vmul.f32 v12, v15;
	v6 =	vshrl.u32 v6, $0xE;
	v9 =	vld.idx.msk [tilespmem:v9+s17+$0x0], $0xffff  }
0xba: {  	v4 =	vshrl.u32 v4, $0xE;
	v2 =	vshrl.u32 v2, $0xE;
	vm1 =	vgt.f32 v17, $0.0e+00  }
0xbb: {  	v5 =	vmul.f32 v11, v5;
	vm0 =	vgt.f32 v16, $0.0e+00;
	v61 =	vnsel vm1, $0x0, v12  }
.Ltmp5:
0xbc: {  	v62 =	vnsel vm0, $0x0, v13;
	v8 =	vmul.f32 v8, v19;
	vm13 =	vgt.f32 v18, $0.0e+00;
	[tilespmem:v10+s5+$0x0] =	vst.idx.add.f32.msk $0xffff, v61;
	(pc) =	sbr.rel @p0 .LBB2_10-.Ltmp5, $4  }
0xbd: {  	v1 =	vmul.f32 v1, v3;
	vm14 =	vgt.f32 v14, $0.0e+00;
	v3 =	vnsel vm13, $0x0, v5;
	[tilespmem:v7+s5+$0x0] =	vst.idx.add.f32.msk $0xffff, v62  }
0xbe: {  	vm15 =	vgt.f32 v9, $0.0e+00;
	v63 =	vnsel vm14, $0x0, v8;
	[tilespmem:v6+s5+$0x0] =	vst.idx.add.f32.msk $0xffff, v3  }
0xbf: {  	v1 =	vnsel vm15, $0x0, v1;
	[tilespmem:v4+s5+$0x0] =	vst.idx.add.f32.msk $0xffff, v63  }
0xc0: {  	[tilespmem:v2+s5+$0x0] =	vst.idx.add.f32.msk $0xffff, v1  }
0xc1: {  	s0 =	smul.u32 $0xFA0, s31;
	_ =	sdelay $0x1  }
0xc2: {  	s0 =	sadd.s32 s0, s14  }
0xc3: {  	s0 =	sshrl.u32 s0, $0x3  }
0xc4: {  	s1 =	sadd.s32 s6, s0  }
0xc5: {  	[tilespmem:s22], [sflag:$0x2] =	stream.linear.gather [hbm4b:s1+s5], $0x7D0, $0x38;
	[tilespmem:$0x1E780] =	vst v63  }
.Ltmp6:
0xc6: {  	_ = 	snop;
	(pc) =	sbr.rel .LBB2_4-.Ltmp6, $4  }
0xc7: {  	s19 =	sadd.s32 s2, s0  }
0xc8: {  	[tilespmem:s23], [sflag:$0x2] =	stream.linear.gather [hbm4b:s19+s5], $0x7D0, $0x38;
	[tilespmem:$0x1E780] =	vst v63  }
0xc9: {  	s31 =	sadd.s32 $0x1, s31;
	s0 =	sadd.s32 s3, s0  }
0xca: {  	[tilespmem:s24], [sflag:$0x2] =	stream.linear.gather [hbm4b:s0+s5], $0x7D0, $0x38;
	[tilespmem:$0x1E780] =	vst v63  }
.LBB2_11:
0xcb: {  	_ =	sfence.sel $0x180000  }
0xcc: {  	[bflag:$0x0] =	sbarrier.arrive $0xFFFF  }
0xcd: {  	_ =	strace $0x90000047  }
0xce: {  	s0 =	stileid.u32;
	[bflag:$0x2] =	sbarrier.arrive $0xFFFF  }
0xcf: {  	p0 =	sne.s32 s0, $0x0;
	s0 =	rddreg [dreg:$0x4]  }
0xd0: {  	s0 =	sadd.s32 @!p0 $0x100000, s0  }
0xd1: {  	[sflag:s0] =	ssyncadd.tile.s32 @!p0 $0x1;
	_ =	shalt  }
.Lfunc_end2:
_tile_overlayer_lowered:
.L_overlay_start_2:
0xd2: {  	(tag) =	ssettag $0x2  }
0xd3: {  	s0 =	rddreg [dreg:$0x0];
	s2 =	stileid.u32  }
0xd4: {  	s1 =	rddreg [dreg:$0x1];
	p0 =	sne.s32 s2, $0x0  }
0xd5: {  	s3 =	rddreg [dreg:$0x2];
	[bflag:$0x3] =	sbarrier.arrive $0xFFFF;
	s2 =	simm.s32 @!p0 $0x1C03  }
0xd6: {  	[timem:s3], [sflag:s2] =	dma.local @!p0 [hbm:s0], s1  }
0xd7: {  	s0 =	simm.s32 @!p0 $0x3  }
0xd8: {  	_ =	swait.ge @!p0 [sflag:s0], s1  }
0xd9: {  	s1 =	ssub.s32 @!p0 $0x0, s1;
	[sflag:s0] =	ssyncset.done @!p0 $0x0  }
0xda: {  	[sflag:s0] =	ssyncadd.s32 @!p0 s1  }
0xdb: {  	[bflag:$0x3] =	sbarrier.arrive $0xFFFF  }
0xdc: {  	_ =	shalt  }

// kernel: kernel.7.cloned.1.call-start
scs
__scs_entry_jumppad:
0x0: {  	(pc) =	sbr.rel $0x88, $3  }
0x1: {  	(tag) =	ssettag $0x0;
	lr =	simm.s32 $0x1  }
0x2: {  	[smem:$0x3F9D] =	sst lr;
	_ =	strace $0xD0000000  }
0x3: {  	_ = 	snop  }
0x4: {  	_ = 	snop  }
0x5: {  	_ = 	snop  }
0x6: {  	_ = 	snop  }
0x7: {  	_ = 	snop  }
__scs_overlays_trampoline_lowered:
0x8: {  	[smem:$0x3FAC] =	sst s0  }
0x9: {  	[smem:$0x3FAD] =	sst s1  }
0xa: {  	[smem:$0x3FAE] =	sst s2  }
0xb: {  	[smem:$0x3FAF] =	sst s3  }
0xc: {  	[smem:$0x3FB0] =	sst s4  }
0xd: {  	[smem:$0x3FB1] =	sst s5  }
0xe: {  	[smem:$0x3FB2] =	sst s6  }
0xf: {  	[smem:$0x3FB3] =	sst s7  }
0x10: {  	[smem:$0x3FB4] =	sst s8  }
0x11: {  	[smem:$0x3FB5] =	sst s9;
	s0 =	simm.s32 @!p0 $0x0  }
0x12: {  	s1 =	sld [smem:$0x3F9B];
	s0 =	simm.s32 @p0 $0x1  }
0x13: {  	[smem:$0x3FB6] =	sst s0;
	s0 =	simm.s32 @!p1 $0x0  }
0x14: {  	s2 =	sld [smem:$0x3F9A];
	s0 =	simm.s32 @p1 $0x1  }
0x15: {  	[smem:$0x3FB7] =	sst s0;
	s0 =	simm.s32 @!p2 $0x0  }
0x16: {  	s3 =	sld [smem:$0x3FDB];
	s0 =	simm.s32 @p2 $0x1  }
0x17: {  	s4 =	simm.s32 $0x1BF5;
	[smem:$0x3FB9] =	sst s0  }
0x18: {  	s0 =	sld [smem:$0x3F9C];
	_ =	swait.ge [sflag:s4], $0x0  }
0x19: {  	s7 =	sld [smem:$0x3F9D]  }
0x1a: {  	s8 =	sadd.s32 $0xFFFFE003, lr  }
0x1b: {  	s9 =	sadd.s32 $0xFFFFFEF7, lr;
	s5 =	simm.s32 $0xFFFFFFFF;
	p2 =	slt.u32 s8, $0xFFFFF086  }
0x1c: {  	p1 =	slt.u32 s9, $0xF7A;
	s5 =	simm.s32 @!p2 $0x0  }
0x1d: {  	s5 =	simm.s32 @p1 $0x1;
	p0 =	seq.s32 s7, s2  }
0x1e: {  	s7 =	smul.u32 @!p0 $0xF7A, s2;
	p2 =	seq.s32 @!p0 s5, $0x0  }
0x1f: {  	s9 =	smul.u32 $0xF7A, s1;
	s8 =	simm.s32 @!p0 $0x1BF5;
	p2 =	por !p2, p0  }
0x20: {  	[sflag:s8] =	ssyncset.s32 @!p0 $0xFFFFF086;
	s6 =	sadd.s32 @!p0 s3, s7;
	s7 =	simm.s32 @!p0 $0x108  }
0x21: {  	s3 =	sadd.s32 s3, s9;
	s6 =	sadd.s32 @!p0 $0x88, s6;
	s7 =	simm.s32 @p2 $0x1082  }
0x22: {  	[simem:s7], [sflag:s8] =	dma.local @!p0 [hbm:s6], $0xF7A  }
0x23: {  	s9 =	sor.u32 $0xD0000000, s2;
	s6 =	simm.s32 $0x108;
	_ =	swait.ge @!p0 [sflag:s8], $0x0  }
0x24: {  	s3 =	sadd.s32 $0x88, s3;
	s6 =	simm.s32 @!p1 $0x1082;
	[sflag:s4] =	ssyncset.s32 $0xFFFFF086  }
0x25: {  	[simem:s6], [sflag:s4] =	dma.local [hbm:s3], $0xF7A  }
0x26: {  	[smem:$0x3F9D] =	sst s1;
	(tag) =	ssettag s2;
	_ =	strace s9  }
0x27: {  	s1 =	sld [smem:$0x3FAD]  }
0x28: {  	s2 =	sld [smem:$0x3FAE]  }
0x29: {  	s4 =	sld [smem:$0x3FB0]  }
0x2a: {  	p0 =	seq.s32 s5, $0x0;
	s5 =	sld [smem:$0x3FB1]  }
0x2b: {  	s6 =	sld [smem:$0x3FB2]  }
0x2c: {  	s7 =	sld [smem:$0x3FB3]  }
0x2d: {  	s3 =	simm.s32 $0x108;
	s8 =	sld [smem:$0x3FB4]  }
0x2e: {  	s3 =	simm.s32 @!p0 $0x1082;
	s9 =	sld [smem:$0x3FB5]  }
0x2f: {  	lr =	sadd.s32 s0, s3;
	s0 =	sld [smem:$0x3FAC]  }
0x30: {  	s3 =	sld [smem:$0x3FAF]  }
0x31: {  	[smem:$0x3FB8] =	sst s10  }
0x32: {  	s10 =	sld [smem:$0x3FB6];
	_ =	sdelay $0x3  }
0x33: {  	p0 =	seq.s32 s10, $0x1;
	s10 =	sld [smem:$0x3FB8];
	_ =	sdelay $0x3  }
0x34: {  	[smem:$0x3FB8] =	sst s10  }
0x35: {  	s10 =	sld [smem:$0x3FB7];
	_ =	sdelay $0x3  }
0x36: {  	p1 =	seq.s32 s10, $0x1;
	s10 =	sld [smem:$0x3FB8];
	_ =	sdelay $0x3  }
0x37: {  	[smem:$0x3FB8] =	sst s10  }
0x38: {  	s10 =	sld [smem:$0x3FB9]  }
0x39: {  	_ = 	snop;
	(pc) =	sbr.ind lr, $3  }
0x3a: {  	_ = 	snop  }
0x3b: {  	_ = 	snop  }
0x3c: {  	p2 =	seq.s32 s10, $0x1;
	s10 =	sld [smem:$0x3FB8]  }
0x3d: {  	_ =	shalt  }
0x3e: {  	_ =	shalt  }
0x3f: {  	_ =	shalt  }
0x40: {  	_ =	shalt  }
0x41: {  	_ =	shalt  }
0x42: {  	_ =	shalt  }
0x43: {  	_ =	shalt  }
0x44: {  	_ =	shalt  }
0x45: {  	_ =	shalt  }
0x46: {  	_ =	shalt  }
0x47: {  	_ =	shalt  }
0x48: {  	_ =	shalt  }
0x49: {  	_ =	shalt  }
0x4a: {  	_ =	shalt  }
0x4b: {  	_ =	shalt  }
0x4c: {  	_ =	shalt  }
0x4d: {  	_ =	shalt  }
0x4e: {  	_ =	shalt  }
0x4f: {  	_ =	shalt  }
0x50: {  	_ =	shalt  }
0x51: {  	_ =	shalt  }
0x52: {  	_ =	shalt  }
0x53: {  	_ =	shalt  }
0x54: {  	_ =	shalt  }
0x55: {  	_ =	shalt  }
0x56: {  	_ =	shalt  }
0x57: {  	_ =	shalt  }
0x58: {  	_ =	shalt  }
0x59: {  	_ =	shalt  }
0x5a: {  	_ =	shalt  }
0x5b: {  	_ =	shalt  }
0x5c: {  	_ =	shalt  }
0x5d: {  	_ =	shalt  }
0x5e: {  	_ =	shalt  }
0x5f: {  	_ =	shalt  }
0x60: {  	_ =	shalt  }
0x61: {  	_ =	shalt  }
0x62: {  	_ =	shalt  }
0x63: {  	_ =	shalt  }
0x64: {  	_ =	shalt  }
0x65: {  	_ =	shalt  }
0x66: {  	_ =	shalt  }
0x67: {  	_ =	shalt  }
0x68: {  	_ =	shalt  }
0x69: {  	_ =	shalt  }
0x6a: {  	_ =	shalt  }
0x6b: {  	_ =	shalt  }
0x6c: {  	_ =	shalt  }
0x6d: {  	_ =	shalt  }
0x6e: {  	_ =	shalt  }
0x6f: {  	_ =	shalt  }
0x70: {  	_ =	shalt  }
0x71: {  	_ =	shalt  }
0x72: {  	_ =	shalt  }
0x73: {  	_ =	shalt  }
0x74: {  	_ =	shalt  }
0x75: {  	_ =	shalt  }
0x76: {  	_ =	shalt  }
0x77: {  	_ =	shalt  }
0x78: {  	_ =	shalt  }
0x79: {  	_ =	shalt  }
0x7a: {  	_ =	shalt  }
0x7b: {  	_ =	shalt  }
0x7c: {  	_ =	shalt  }
0x7d: {  	_ =	shalt  }
0x7e: {  	_ =	shalt  }
0x7f: {  	_ =	shalt  }
0x80: {  	_ =	shalt  }
0x81: {  	_ =	shalt  }
0x82: {  	_ =	shalt  }
0x83: {  	_ =	shalt  }
0x84: {  	_ =	shalt  }
0x85: {  	_ =	shalt  }
0x86: {  	_ =	shalt  }
0x87: {  	_ =	shalt  }
.Lfunc_end0:
.L_simem_size_0:
called_computation.1_lowered:
.L_overlay_start_0:
0x88: {  	s2 =	sld [smem:$0x3FD9]  }
0x89: {  	s3 =	sld [smem:$0x3FFE];
	_ =	sdelay $0x1  }
0x8a: {  	s1 =	srdreg.scid  }
0x8b: {  	s0 =	sand.u32 $0x1, s1  }
0x8c: {  	s16 =	sshll.u32 s0, $0xA;
	s2 =	sadd.s32 s3, s2  }
0x8d: {  	s2 =	sadd.s32 s2, s16  }
0x8e: {  	[smem:$0x3FC4] =	sst s2  }
0x8f: {  	_ = 	snop  }
0x90: {  	(tm) =	ssettm $0x1  }
0x91: {  	s17 =	sld [smem:$0x3FFB];
	_ =	sdelay $0x3  }
0x92: {  	_ =	strace s17  }
0x93: {  	s2 =	sld [smem:$0x3FFC];
	_ =	sdelay $0x3  }
0x94: {  	_ =	strace s2  }
0x95: {  	s2 =	sld [smem:$0x3FFD];
	_ =	sdelay $0x3  }
0x96: {  	_ =	strace s2  }
0x97: {  	_ =	strace $0x8FFFFFFF  }
0x98: {  	s18 =	sld [smem:$0x3FDB];
	_ =	sdelay $0x1  }
0x99: {  	s19 =	simm.s32 $_scs_section_size  }
0x9a: {  	s4 =	simm.s32 $_size__tile_overlayer_lowered;
	s5 =	simm.s32 $_tile_overlayer_lowered  }
0x9b: {  	s22 =	simm.s32 $0x1BFF;
	s21 =	sshll.u32 s5, $0x1;
	s2 =	sadd.s32 s19, s18  }
0x9c: {  	s6 =	simm.s32 $0x0;
	s20 =	sshll.u32 s4, $0x1;
	s4 =	sadd.s32 s21, s2  }
0x9d: {  	[timem:s6], [sflag:s22] =	dma.local [hbm:s4], s20  }
0x9e: {  	_ =	swait.ge [sflag:s22], s20  }
0x9f: {  	s3 =	ssub.s32 $0x0, s20;
	[sflag:s22] =	ssyncset.done $0x0  }
0xa0: {  	[sflag:s22] =	ssyncadd.s32 s3;
	_ =	sdelay $0x1  }
0xa1: {  	s23 =	simm.s32 $0x1B8B  }
0xa2: {  	_ =	swait.ge [sflag:s23], $0x1  }
0xa3: {  	[sflag:s23] =	ssyncset.done $0x0  }
0xa4: {  	s25 =	simm.s32 $0x1B8E;
	s24 =	sld [smem:$0x3FFE];
	[sflag:s23] =	ssyncadd.s32 $0xFFFFFFFF  }
0xa5: {  	s26 =	simm.s32 $execute0_lowered;
	[smem:$0x3FD2] =	sst s25  }
0xa6: {  	s4 =	sshll.u32 s26, $0x1;
	_ =	strace $0x80000049;
	[dreg:$0x1] =	wrdreg $0xFFFFFFFF  }
0xa7: {  	s28 =	simm.s32 $_size_execute0_lowered;
	s2 =	sadd.s32 s2, s4;
	[dreg:$0x0] =	wrdreg $0x0  }
0xa8: {  	s4 =	sshll.u32 s28, $0x1;
	[dreg:$0x2] =	wrdreg s2  }
0xa9: {  	[dreg:$0x3] =	wrdreg s4  }
0xaa: {  	[dreg:$0x4] =	wrdreg $0xC0  }
0xab: {  	_ =	task [dreg:s6], $0x5FFFF  }
0xac: {  	[dreg:$0x1] =	wrdreg $0xFFFFFFFF  }
0xad: {  	[dreg:$0x0] =	wrdreg $0x60  }
0xae: {  	[dreg:$0x2] =	wrdreg s24  }
0xaf: {  	[dreg:$0x3] =	wrdreg $0x9  }
0xb0: {  	_ =	task.clear_ibuf [dreg:s6], $0x4FFFF;
	_ =	strace $0x90000049  }
0xb1: {  	s29 =	simm.s32 $0x9;
	_ =	strace $0x8000004B  }
0xb2: {  	_ =	swait.ge [sflag:s29], $0x1  }
0xb3: {  	[sflag:s29] =	ssyncadd.s32 $0xFFFFFFFF  }
0xb4: {  	_ =	strace $0x9000004B  }
0xb5: {  	_ =	sfence  }
0xb6: {  	s30 =	sld [smem:$0x0];
	_ =	sdelay $0x2  }
0xb7: {  	s31 =	sshll.u32 s1, $0xD;
	s1 =	sshrl.u32 s1, $0x2  }
0xb8: {  	s3 =	sand.u32 $0x4000, s31;
	s1 =	sadd.s32 s1, s30  }
0xb9: {  	s0 =	sor.u32 s3, s0;
	s1 =	sshll.u32 s1, $0x11  }
0xba: {  	s0 =	sor.u32 s1, s0  }
0xbb: {  	s0 =	sadd.s32 $0x8F2B, s0  }
0xbc: {  	[sflag:s0] =	ssyncadd.remote.s32 $0x1  }
0xbd: {  	_ =	sfence.sel $0xFFFF  }
0xbe: {  	[dreg:$0x0] =	wrdreg $0xFFFFFFFF;
	(pc) =	sbr.abs _section_cstart, $3  }
0xbf: {  	[dreg:$0x1] =	wrdreg $0xFFFFFFFF  }
0xc0: {  	_ =	task.clear_ibuf [dreg:s6], $0x2FFFF;
	_ =	strace $0x9FFFFFFF  }
0xc1: {  	(tm) =	ssettm $0x7FFFFFFF  }
tec
execute0_lowered:
.L_overlay_start_1:
0x0: {  	(tag) =	ssettag $0x1  }
0x1: {  	s1 =	srdreg.scid  }
0x2: {  	s0 =	stileid.u32;
	s4 =	rddreg [dreg:$0x0];
	s2 =	simm.s32 $0x0  }
0x3: {  	s7 =	simm.s32 $0xC8000;
	s3 =	sand.u32 $0x1, s1;
	s30 =	sshll.u32 s0, $0x1  }
0x4: {  	s8 =	simm.s32 $0x1;
	s9 =	simm.s32 $0x19000;
	s5 =	sor.u32 s3, s30  }
0x5: {  	s10 =	simm.s32 $0x0;
	s1 =	rddreg [dreg:$0x1];
	s6 =	smul.u32 $0xC80, s5  }
0x6: {  	[smem:$0x7FF] =	sst s2;
	s3 =	ssub.s32 $0x2, s3;
	s5 =	smul.u32 $0x190, s5  }
0x7: {  	_ =	strace $0x8000004A;
	s31 =	sshrl.u32 s3, $0x1;
	s6 =	sadd.s32 s6, s4  }
0x8: {  	s4 =	sadd.s32 s5, s4;
	s5 =	ssub.s32 s3, s31;
	s3 =	sadd.s32 $0xC3C00, s6  }
0x9: {  	s4 =	sadd.s32 $0x600, s4;
	s5 =	smax.u32 s5, $0x1;
	s6 =	simm.s32 $0x6400  }
.LBB2_1:
0xa: {  	[tilespmem:s2], [sflag:$0x1] =	stream.strided.gather [hbm4b:s3+s6], $0x19000, s7, s6, $0x38;
	[tilespmem:$0x19C80] =	vst v63  }
0xb: {  	_ =	swait.ge [sflag:s8], $0x19000  }
0xc: {  	s11 =	sand.u32 $0x70, s2;
	s12 =	sand.u32 $0x7C00, s2;
	[sflag:s8] =	ssyncset.done $0x0  }
0xd: {  	s11 =	sor.u32 s11, s12;
	[sflag:s8] =	ssyncadd.s32 $0xFFFE7000  }
0xe: {  	v0 =	vld [tilespmem:s11+$0x80]  }
0xf: {  	v1 =	vld [tilespmem:s11+$0x0];
	_ =	sdelay $0x1  }
0x10: {  	v2 =	vld [tilespmem:s11+$0x100];
	_ =	sdelay $0x1  }
0x11: {  	v3 =	vld [tilespmem:s11+$0x180]  }
0x12: {  	v0 =	vadd.f32 v0, v1  }
0x13: {  	v36 =	vld [tilespmem:s11+$0x200]  }
0x14: {  	v0 =	vadd.f32 v2, v0  }
0x15: {  	v37 =	vld [tilespmem:s11+$0x280]  }
0x16: {  	v0 =	vadd.f32 v3, v0  }
0x17: {  	v38 =	vld [tilespmem:s11+$0x300]  }
0x18: {  	v0 =	vadd.f32 v36, v0  }
0x19: {  	v39 =	vld [tilespmem:s11+$0x380]  }
0x1a: {  	v0 =	vadd.f32 v37, v0  }
0x1b: {  	v40 =	vld [tilespmem:s11+$0x6400]  }
0x1c: {  	v0 =	vadd.f32 v38, v0  }
0x1d: {  	v41 =	vld [tilespmem:s11+$0x6480]  }
0x1e: {  	v0 =	vadd.f32 v39, v0  }
0x1f: {  	v42 =	vld [tilespmem:s11+$0x6500]  }
0x20: {  	v0 =	vadd.f32 v40, v0  }
0x21: {  	v43 =	vld [tilespmem:s11+$0x6580]  }
0x22: {  	v0 =	vadd.f32 v41, v0  }
0x23: {  	v44 =	vld [tilespmem:s11+$0x6600]  }
0x24: {  	v0 =	vadd.f32 v42, v0  }
0x25: {  	v45 =	vld [tilespmem:s11+$0x6680]  }
0x26: {  	v0 =	vadd.f32 v43, v0  }
0x27: {  	v46 =	vld [tilespmem:s11+$0x6700]  }
0x28: {  	v0 =	vadd.f32 v44, v0  }
0x29: {  	v47 =	vld [tilespmem:s11+$0x6780]  }
0x2a: {  	v0 =	vadd.f32 v45, v0  }
0x2b: {  	v48 =	vld [tilespmem:s11+$0xC800]  }
0x2c: {  	v0 =	vadd.f32 v46, v0  }
0x2d: {  	v49 =	vld [tilespmem:s11+$0xC880]  }
0x2e: {  	v0 =	vadd.f32 v47, v0  }
0x2f: {  	v50 =	vld [tilespmem:s11+$0xC900]  }
0x30: {  	v0 =	vadd.f32 v48, v0  }
0x31: {  	v51 =	vld [tilespmem:s11+$0xC980]  }
0x32: {  	v0 =	vadd.f32 v49, v0  }
0x33: {  	v52 =	vld [tilespmem:s11+$0xCA00]  }
0x34: {  	v0 =	vadd.f32 v50, v0  }
0x35: {  	v53 =	vld [tilespmem:s11+$0xCA80]  }
0x36: {  	v0 =	vadd.f32 v51, v0  }
0x37: {  	v54 =	vld [tilespmem:s11+$0xCB00]  }
0x38: {  	v0 =	vadd.f32 v52, v0  }
0x39: {  	v55 =	vld [tilespmem:s11+$0xCB80]  }
0x3a: {  	v0 =	vadd.f32 v53, v0  }
0x3b: {  	v56 =	vld [tilespmem:s11+$0x12C00]  }
0x3c: {  	v0 =	vadd.f32 v54, v0  }
0x3d: {  	v57 =	vld [tilespmem:s11+$0x12C80]  }
0x3e: {  	v0 =	vadd.f32 v55, v0  }
0x3f: {  	v58 =	vld [tilespmem:s11+$0x12D00]  }
0x40: {  	v0 =	vadd.f32 v56, v0  }
0x41: {  	v59 =	vld [tilespmem:s11+$0x12D80]  }
0x42: {  	v0 =	vadd.f32 v57, v0  }
0x43: {  	v60 =	vld [tilespmem:s11+$0x12E00]  }
0x44: {  	v0 =	vadd.f32 v58, v0  }
0x45: {  	v61 =	vld [tilespmem:s11+$0x12E80]  }
0x46: {  	v0 =	vadd.f32 v59, v0  }
0x47: {  	v62 =	vld [tilespmem:s11+$0x12F00]  }
0x48: {  	v0 =	vadd.f32 v60, v0  }
0x49: {  	v63 =	vld [tilespmem:s11+$0x12F80]  }
0x4a: {  	v0 =	vadd.f32 v61, v0;
	_ =	sdelay $0x1  }
0x4b: {  	v0 =	vadd.f32 v62, v0;
	_ =	sdelay $0x1  }
0x4c: {  	s30 =	simm.s32 $0x10;
	s13 =	simm.s32 $0x80;
	v0 =	vadd.f32 v63, v0  }
0x4d: {  	s31 =	sand.u32 $0x7C00, s13;
	s11 =	sand.u32 $0x70, s30  }
0x4e: {  	s14 =	simm.s32 $0x20;
	s12 =	sor.u32 s11, s31;
	s11 =	simm.s32 $0x19000;
	[tilespmem:s9+$0x0] =	vst v0  }
.LBB2_2:
0x4f: {  	p0 =	sne.s32 s14, $0xC70;
	v0 =	vld [tilespmem:s12+$0x80]  }
0x50: {  	v1 =	vld [tilespmem:s12+$0x0];
	_ =	sdelay $0x1  }
0x51: {  	v2 =	vld [tilespmem:s12+$0x100];
	_ =	sdelay $0x1  }
0x52: {  	v3 =	vld [tilespmem:s12+$0x180]  }
0x53: {  	v0 =	vadd.f32 v0, v1  }
0x54: {  	v1 =	vld [tilespmem:s12+$0x200]  }
0x55: {  	v0 =	vadd.f32 v2, v0  }
0x56: {  	v2 =	vld [tilespmem:s12+$0x280]  }
0x57: {  	v0 =	vadd.f32 v3, v0  }
0x58: {  	v3 =	vld [tilespmem:s12+$0x300]  }
0x59: {  	v0 =	vadd.f32 v1, v0  }
0x5a: {  	v1 =	vld [tilespmem:s12+$0x380]  }
0x5b: {  	v0 =	vadd.f32 v2, v0  }
0x5c: {  	v2 =	vld [tilespmem:s12+$0x6400]  }
0x5d: {  	v0 =	vadd.f32 v3, v0  }
0x5e: {  	v3 =	vld [tilespmem:s12+$0x6480]  }
0x5f: {  	v0 =	vadd.f32 v1, v0  }
0x60: {  	v1 =	vld [tilespmem:s12+$0x6500]  }
0x61: {  	v0 =	vadd.f32 v2, v0  }
0x62: {  	v2 =	vld [tilespmem:s12+$0x6580]  }
0x63: {  	v0 =	vadd.f32 v3, v0  }
0x64: {  	v3 =	vld [tilespmem:s12+$0x6600]  }
0x65: {  	v0 =	vadd.f32 v1, v0  }
0x66: {  	v1 =	vld [tilespmem:s12+$0x6680]  }
0x67: {  	v0 =	vadd.f32 v2, v0  }
0x68: {  	v2 =	vld [tilespmem:s12+$0x6700]  }
0x69: {  	v0 =	vadd.f32 v3, v0  }
0x6a: {  	v3 =	vld [tilespmem:s12+$0x6780]  }
0x6b: {  	v0 =	vadd.f32 v1, v0  }
0x6c: {  	v1 =	vld [tilespmem:s12+$0xC800]  }
0x6d: {  	v0 =	vadd.f32 v2, v0  }
0x6e: {  	v2 =	vld [tilespmem:s12+$0xC880]  }
0x6f: {  	v0 =	vadd.f32 v3, v0  }
0x70: {  	v3 =	vld [tilespmem:s12+$0xC900]  }
0x71: {  	v0 =	vadd.f32 v1, v0  }
0x72: {  	v1 =	vld [tilespmem:s12+$0xC980]  }
0x73: {  	v0 =	vadd.f32 v2, v0  }
0x74: {  	v2 =	vld [tilespmem:s12+$0xCA00]  }
0x75: {  	v0 =	vadd.f32 v3, v0  }
0x76: {  	v3 =	vld [tilespmem:s12+$0xCA80]  }
0x77: {  	v0 =	vadd.f32 v1, v0  }
0x78: {  	v1 =	vld [tilespmem:s12+$0xCB00]  }
0x79: {  	v0 =	vadd.f32 v2, v0  }
0x7a: {  	v2 =	vld [tilespmem:s12+$0xCB80]  }
0x7b: {  	v0 =	vadd.f32 v3, v0  }
0x7c: {  	v3 =	vld [tilespmem:s12+$0x12C00]  }
0x7d: {  	v0 =	vadd.f32 v1, v0  }
0x7e: {  	v1 =	vld [tilespmem:s12+$0x12C80]  }
0x7f: {  	v0 =	vadd.f32 v2, v0  }
0x80: {  	v2 =	vld [tilespmem:s12+$0x12D00]  }
0x81: {  	v0 =	vadd.f32 v3, v0  }
0x82: {  	v3 =	vld [tilespmem:s12+$0x12D80]  }
0x83: {  	v0 =	vadd.f32 v1, v0  }
0x84: {  	v1 =	vld [tilespmem:s12+$0x12E00]  }
0x85: {  	v0 =	vadd.f32 v2, v0  }
0x86: {  	v2 =	vld [tilespmem:s12+$0x12E80]  }
0x87: {  	v0 =	vadd.f32 v3, v0  }
0x88: {  	v3 =	vld [tilespmem:s12+$0x12F00]  }
0x89: {  	v0 =	vadd.f32 v1, v0  }
0x8a: {  	v1 =	vld [tilespmem:s12+$0x12F80]  }
0x8b: {  	v0 =	vadd.f32 v2, v0;
	_ =	sdelay $0x1  }
.Ltmp0:
0x8c: {  	v0 =	vadd.f32 v3, v0;
	(pc) =	sbr.rel @p0 .LBB2_2-.Ltmp0, $4  }
0x8d: {  	_ = 	snop  }
0x8e: {  	s13 =	sadd.s32 $0x80, s13;
	v0 =	vadd.f32 v1, v0  }
0x8f: {  	s11 =	sadd.s32 $0x10, s11;
	s15 =	sand.u32 $0x7C00, s13;
	s12 =	sand.u32 $0x70, s14  }
0x90: {  	s14 =	sadd.s32 $0x10, s14;
	s12 =	sor.u32 s12, s15;
	[tilespmem:s11+$0x0] =	vst v0  }
0x91: {  	v0 =	vld [tilespmem:s12+$0x80]  }
0x92: {  	v1 =	vld [tilespmem:s12+$0x0];
	_ =	sdelay $0x1  }
0x93: {  	v2 =	vld [tilespmem:s12+$0x100];
	_ =	sdelay $0x1  }
0x94: {  	v3 =	vld [tilespmem:s12+$0x180]  }
0x95: {  	v0 =	vadd.f32 v0, v1  }
0x96: {  	v36 =	vld [tilespmem:s12+$0x200]  }
0x97: {  	v0 =	vadd.f32 v2, v0  }
0x98: {  	v37 =	vld [tilespmem:s12+$0x280]  }
0x99: {  	v0 =	vadd.f32 v3, v0  }
0x9a: {  	v38 =	vld [tilespmem:s12+$0x300]  }
0x9b: {  	v0 =	vadd.f32 v36, v0  }
0x9c: {  	v39 =	vld [tilespmem:s12+$0x380]  }
0x9d: {  	v0 =	vadd.f32 v37, v0  }
0x9e: {  	v40 =	vld [tilespmem:s12+$0x6400]  }
0x9f: {  	v0 =	vadd.f32 v38, v0  }
0xa0: {  	v41 =	vld [tilespmem:s12+$0x6480]  }
0xa1: {  	v0 =	vadd.f32 v39, v0  }
0xa2: {  	v42 =	vld [tilespmem:s12+$0x6500]  }
0xa3: {  	v0 =	vadd.f32 v40, v0  }
0xa4: {  	v43 =	vld [tilespmem:s12+$0x6580]  }
0xa5: {  	v0 =	vadd.f32 v41, v0  }
0xa6: {  	v44 =	vld [tilespmem:s12+$0x6600]  }
0xa7: {  	v0 =	vadd.f32 v42, v0  }
0xa8: {  	v45 =	vld [tilespmem:s12+$0x6680]  }
0xa9: {  	v0 =	vadd.f32 v43, v0  }
0xaa: {  	v46 =	vld [tilespmem:s12+$0x6700]  }
0xab: {  	v0 =	vadd.f32 v44, v0  }
0xac: {  	v47 =	vld [tilespmem:s12+$0x6780]  }
0xad: {  	v0 =	vadd.f32 v45, v0  }
0xae: {  	v48 =	vld [tilespmem:s12+$0xC800]  }
0xaf: {  	v0 =	vadd.f32 v46, v0  }
0xb0: {  	v49 =	vld [tilespmem:s12+$0xC880]  }
0xb1: {  	v0 =	vadd.f32 v47, v0  }
0xb2: {  	v50 =	vld [tilespmem:s12+$0xC900]  }
0xb3: {  	v0 =	vadd.f32 v48, v0  }
0xb4: {  	v51 =	vld [tilespmem:s12+$0xC980]  }
0xb5: {  	v0 =	vadd.f32 v49, v0  }
0xb6: {  	v52 =	vld [tilespmem:s12+$0xCA00]  }
0xb7: {  	v0 =	vadd.f32 v50, v0  }
0xb8: {  	v53 =	vld [tilespmem:s12+$0xCA80]  }
0xb9: {  	v0 =	vadd.f32 v51, v0  }
0xba: {  	v54 =	vld [tilespmem:s12+$0xCB00]  }
0xbb: {  	v0 =	vadd.f32 v52, v0  }
0xbc: {  	v55 =	vld [tilespmem:s12+$0xCB80]  }
0xbd: {  	v0 =	vadd.f32 v53, v0  }
0xbe: {  	v56 =	vld [tilespmem:s12+$0x12C00]  }
0xbf: {  	v0 =	vadd.f32 v54, v0  }
0xc0: {  	v57 =	vld [tilespmem:s12+$0x12C80]  }
0xc1: {  	v0 =	vadd.f32 v55, v0  }
0xc2: {  	v58 =	vld [tilespmem:s12+$0x12D00]  }
0xc3: {  	v0 =	vadd.f32 v56, v0  }
0xc4: {  	v59 =	vld [tilespmem:s12+$0x12D80]  }
0xc5: {  	v0 =	vadd.f32 v57, v0  }
0xc6: {  	v60 =	vld [tilespmem:s12+$0x12E00]  }
0xc7: {  	v0 =	vadd.f32 v58, v0  }
0xc8: {  	v61 =	vld [tilespmem:s12+$0x12E80]  }
0xc9: {  	v0 =	vadd.f32 v59, v0  }
0xca: {  	v62 =	vld [tilespmem:s12+$0x12F00]  }
0xcb: {  	v0 =	vadd.f32 v60, v0  }
0xcc: {  	v63 =	vld [tilespmem:s12+$0x12F80]  }
0xcd: {  	v0 =	vadd.f32 v61, v0;
	_ =	sdelay $0x1  }
0xce: {  	v0 =	vadd.f32 v62, v0;
	_ =	sdelay $0x1  }
0xcf: {  	s10 =	sadd.s32 $0x1, s10;
	v0 =	vadd.f32 v63, v0  }
0xd0: {  	s11 =	sadd.s32 $0x10, s11;
	p0 =	sne.s32 s10, s5  }
.Ltmp1:
0xd1: {  	[tilespmem:s11+$0x0] =	vst v0;
	(pc) =	sbr.rel @p0 .LBB2_1-.Ltmp1, $4  }
0xd2: {  	[hbm4b:s4+s2] =	stream.linear.scatter [tilespmem:s9], [sflag:$0x1], $0xC80, $0x38;
	[tilespmem:$0x19C80] =	vst v63  }
0xd3: {  	_ =	swait.ge [sflag:s8], $0xC80  }
0xd4: {  	[sflag:s8] =	ssyncset.done $0x0  }
0xd5: {  	[sflag:s8] =	ssyncadd.s32 $0xFFFFF380  }
0xd6: {  	_ =	sfence.sel $0x180000  }
0xd7: {  	[bflag:$0x0] =	sbarrier.arrive $0xFFFF  }
0xd8: {  	p0 =	sne.s32 s0, $0x0;
	_ =	strace $0x9000004A  }
0xd9: {  	s0 =	sadd.s32 @!p0 $0x100000, s1;
	[bflag:$0x2] =	sbarrier.arrive $0xFFFF  }
0xda: {  	[sflag:s0] =	ssyncadd.tile.s32 @!p0 $0x1;
	_ =	shalt  }
.Lfunc_end2:
_tile_overlayer_lowered:
.L_overlay_start_2:
0xdb: {  	(tag) =	ssettag $0x2  }
0xdc: {  	s0 =	rddreg [dreg:$0x0];
	s2 =	stileid.u32  }
0xdd: {  	s1 =	rddreg [dreg:$0x1];
	p0 =	sne.s32 s2, $0x0  }
0xde: {  	s3 =	rddreg [dreg:$0x2];
	[bflag:$0x3] =	sbarrier.arrive $0xFFFF;
	s2 =	simm.s32 @!p0 $0x1C01  }
0xdf: {  	[timem:s3], [sflag:s2] =	dma.local @!p0 [hbm:s0], s1  }
0xe0: {  	s0 =	simm.s32 @!p0 $0x1  }
0xe1: {  	_ =	swait.ge @!p0 [sflag:s0], s1  }
0xe2: {  	s1 =	ssub.s32 @!p0 $0x0, s1;
	[sflag:s0] =	ssyncset.done @!p0 $0x0  }
0xe3: {  	[sflag:s0] =	ssyncadd.s32 @!p0 s1  }
0xe4: {  	[bflag:$0x3] =	sbarrier.arrive $0xFFFF  }
0xe5: {  	_ =	shalt  }

</sc_bundles>
